<compile_context>
chip_gen: v7x
topology: tpu7x:2x2x1
jax: 0.10.2.dev20260603
libtpu: 0.0.44.dev20260713+nightly
codegen_flags: <defaults>
</compile_context>

<pallas_src>
import functools

import jax
import jax.numpy as jnp
from jax import lax
from jax.experimental import pallas as pl
from jax.experimental.pallas import tpu as pltpu
from jax.experimental.pallas import tpu_sc as plsc

_N = 10000
_E = 320000
_P = 200000
_LANES = 16
_NW = 32
_EP = _E // _NW
_NV = _N // _LANES
_EV = _EP // _LANES
_EW = _EP + 112
_PV = -(-(_P // _LANES) // _NW)
_PPT = _PV * _LANES
_PPT_LAST = _P - (_NW - 1) * _PPT
_PV_LAST = _PPT_LAST // _LANES
_P_EXTRA = _PPT - _PPT_LAST
_PW = 6400
_PW_LAST = 6144
_P_PAD = 200064

_mesh = plsc.VectorSubcoreMesh(core_axis_name="c", subcore_axis_name="s")
_sc_params = pltpu.CompilerParams(needs_layout_passes=False)


def _worker_id():
    return lax.axis_index("s") * 2 + lax.axis_index("c")


def _zero_vmem(ref, nv):
    def body(i, _):
        ref[pl.ds(i * _LANES, _LANES)] = jnp.zeros((_LANES,), jnp.float32)
        return _
    lax.fori_loop(0, nv, body, None)


@functools.partial(
    pl.kernel,
    out_type=jax.ShapeDtypeStruct((_NW, _N), jnp.float32),
    mesh=_mesh,
    compiler_params=_sc_params,
    scratch_types=[
        pltpu.VMEM((2, _EW), jnp.int32),
        pltpu.VMEM((_N,), jnp.float32),
    ],
)
def _sc_degree(ei_hbm, out_hbm, ei_v, acc_v):
    w = _worker_id()
    start = w * _EP
    lead = lax.rem(start, 128)
    ab = pl.multiple_of(start - lead, 128)
    pltpu.sync_copy(ei_hbm.at[:, pl.ds(ab, _EW)], ei_v)
    _zero_vmem(acc_v, _NV)
    ones = jnp.ones((_LANES,), jnp.float32)

    def body(j, _):
        di = ei_v[1, pl.ds(lead + j * _LANES, _LANES)]
        plsc.addupdate_scatter(acc_v, [di], ones)
        return _
    lax.fori_loop(0, _EV, body, None)
    pltpu.sync_copy(acc_v, out_hbm.at[w])


@functools.partial(
    pl.kernel,
    out_type=jax.ShapeDtypeStruct((_NW, _N), jnp.float32),
    mesh=_mesh,
    compiler_params=_sc_params,
    scratch_types=[
        pltpu.VMEM((_N,), jnp.float32),
        pltpu.VMEM((2, _EW), jnp.int32),
        pltpu.VMEM((_N,), jnp.float32),
    ],
)
def _sc_scatter(vals_hbm, ei_hbm, out_hbm, vals_v, ei_v, acc_v):
    w = _worker_id()
    start = w * _EP
    lead = lax.rem(start, 128)
    ab = pl.multiple_of(start - lead, 128)
    pltpu.sync_copy(vals_hbm, vals_v)
    pltpu.sync_copy(ei_hbm.at[:, pl.ds(ab, _EW)], ei_v)
    _zero_vmem(acc_v, _NV)

    def body(j, _):
        b = lead + j * _LANES
        si = ei_v[0, pl.ds(b, _LANES)]
        di = ei_v[1, pl.ds(b, _LANES)]
        t = plsc.load_gather(vals_v, [si])
        plsc.addupdate_scatter(acc_v, [di], t)
        return _
    lax.fori_loop(0, _EV, body, None)
    pltpu.sync_copy(acc_v, out_hbm.at[w])


@functools.partial(
    pl.kernel,
    out_type=jax.ShapeDtypeStruct((_P,), jnp.float32),
    mesh=_mesh,
    compiler_params=_sc_params,
    scratch_types=[
        pltpu.VMEM((_N,), jnp.float32),
        pltpu.VMEM((2, _PW), jnp.int32),
        pltpu.VMEM((_PPT,), jnp.float32),
    ],
)
def _sc_pair_gather(s_hbm, pe_hbm, out_hbm, s_v, pe_v, out_v):
    w = _worker_id()
    start = w * _PPT
    lead = lax.rem(start, 128)
    ab = pl.multiple_of(start - lead, 128)
    pltpu.sync_copy(s_hbm, s_v)

    @pl.when(w < _NW - 1)
    def _():
        pltpu.sync_copy(pe_hbm.at[:, pl.ds(ab, _PW)], pe_v.at[:, pl.ds(0, _PW)])

    @pl.when(w == _NW - 1)
    def _():
        pltpu.sync_copy(pe_hbm.at[:, pl.ds(ab, _PW_LAST)],
                        pe_v.at[:, pl.ds(0, _PW_LAST)])

    def body(j, _):
        b = lead + j * _LANES
        ia = pe_v[0, pl.ds(b, _LANES)]
        ib = pe_v[1, pl.ds(b, _LANES)]
        va = plsc.load_gather(s_v, [ia])
        vb = plsc.load_gather(s_v, [ib])
        out_v[pl.ds(j * _LANES, _LANES)] = va * vb
        return _
    lax.fori_loop(0, _PV_LAST, body, None)

    @pl.when(w < _NW - 1)
    def _():
        lax.fori_loop(_PV_LAST, _PV, body, None)

    pltpu.sync_copy(out_v.at[pl.ds(0, _PPT_LAST)],
                    out_hbm.at[pl.ds(start, _PPT_LAST)])

    @pl.when(w < _NW - 1)
    def _():
        pltpu.sync_copy(out_v.at[pl.ds(_PPT_LAST, _P_EXTRA)],
                        out_hbm.at[pl.ds(start + _PPT_LAST, _P_EXTRA)])


def _tc_mv_body(x_ref, w1_ref, w2_ref, wl_ref, u_ref):
    b = w1_ref[...] @ (w2_ref[...] @ wl_ref[...])
    u_ref[...] = jnp.dot(x_ref[...], b,
                         preferred_element_type=jnp.float32)


def _tc_prep_body(degp_ref, u_ref, ut_ref, dinv_ref):
    deg = jnp.sum(degp_ref[...], axis=0, keepdims=True) + 1.0
    dinv = lax.rsqrt(deg)
    dinv_ref[...] = dinv
    ut_ref[...] = u_ref[...] * dinv


def _tc_layer_body(p_ref, at_ref, dinv_ref, k_ref, out_ref, *, last):
    psum = jnp.sum(p_ref[...], axis=0, keepdims=True)
    dinv = dinv_ref[...]
    val = dinv * (psum + at_ref[...]) + k_ref[...]
    if last:
        out_ref[...] = 1.0 / (1.0 + jnp.exp(-val))
    else:
        out_ref[...] = val * dinv


def _tc_call(body, out_shapes, *args):
    return pl.pallas_call(
        body,
        out_shape=out_shapes,
    )(*args)


def kernel(x, edge_index, pred_edges, W1, b1, W2, b2, Wl, bl):
    f32 = jnp.float32

    k1 = (b1 @ W2 @ Wl + 0.0).reshape(1, 1)
    k2 = (b2 @ Wl + bl).reshape(1, 1)

    degp = _sc_degree(edge_index)
    u = _tc_call(_tc_mv_body, jax.ShapeDtypeStruct((_N, 1), f32),
                 x, W1, W2, Wl)

    ut, dinv = _tc_call(
        _tc_prep_body,
        (jax.ShapeDtypeStruct((1, _N), f32), jax.ShapeDtypeStruct((1, _N), f32)),
        degp, u.reshape(1, _N))

    p1 = _sc_scatter(ut.reshape(_N), edge_index)
    gt = _tc_call(functools.partial(_tc_layer_body, last=False),
                  jax.ShapeDtypeStruct((1, _N), f32),
                  p1, ut, dinv, k1)

    p2 = _sc_scatter(gt.reshape(_N), edge_index)
    s = _tc_call(functools.partial(_tc_layer_body, last=True),
                 jax.ShapeDtypeStruct((1, _N), f32),
                 p2, gt, dinv, k2)

    pe_t = jnp.pad(pred_edges.T, ((0, 0), (0, _P_PAD - _P)))
    return _sc_pair_gather(s.reshape(_N), pe_t)

# --- scband reference (transcript-rebuilt; emitter-appended) ---
"""Pipeline reference for scband-model-12773232738731 (READ-ONLY COPY).

The authoritative reference and input builder live on the scoring server;
editing this copy changes nothing except your own understanding.
"""

import jax, jax.numpy as jnp
import numpy as np

N_NODES = 10000
N_EDGES = 320000
D_IN = 128
N_PRED = 200000


def setup_inputs(seed: int = 0) -> dict:
    key = jax.random.key(seed)
    ks = jax.random.split(key, 10)
    x = jax.random.normal(ks[0], (N_NODES, D_IN), dtype=jnp.float32)
    edge_index = jax.random.randint(ks[1], (2, N_EDGES), 0, N_NODES, dtype=jnp.int64 if jax.config.jax_enable_x64 else jnp.int32).astype(jnp.int32)
    pred_edges = jax.random.randint(ks[2], (N_PRED, 2), 0, N_NODES, dtype=jnp.int32)
    # GCNConv(128 -> 16)
    W1 = jax.random.normal(ks[3], (D_IN, 16), dtype=jnp.float32) * (1.0 / np.sqrt(D_IN))
    b1 = jnp.zeros((16,), dtype=jnp.float32)
    # GCNConv(16 -> 8)
    W2 = jax.random.normal(ks[4], (16, 8), dtype=jnp.float32) * (1.0 / np.sqrt(16))
    b2 = jnp.zeros((8,), dtype=jnp.float32)
    # Linear(8 -> 1)
    Wl = jax.random.normal(ks[5], (8, 1), dtype=jnp.float32) * (1.0 / np.sqrt(8))
    bl = jnp.zeros((1,), dtype=jnp.float32)
    return {"x": x, "edge_index": edge_index, "pred_edges": pred_edges,
            "W1": W1, "b1": b1, "W2": W2, "b2": b2, "Wl": Wl, "bl": bl}


def _gcn_conv(h, edge_index, W, b, num_nodes):
    # PyG GCNConv: add self loops, symmetric normalization, linear, scatter-add, bias
    src = edge_index[0]
    dst = edge_index[1]
    loop = jnp.arange(num_nodes, dtype=src.dtype)
    src = jnp.concatenate([src, loop])
    dst = jnp.concatenate([dst, loop])
    ew = jnp.ones(src.shape[0], dtype=h.dtype)
    deg = jnp.zeros((num_nodes,), dtype=h.dtype).at[dst].add(ew)
    dinv = jnp.where(deg > 0, deg ** -0.5, 0.0)
    norm = dinv[src] * dinv[dst]
    hw = h @ W
    msg = hw[src] * norm[:, None]
    out = jnp.zeros((num_nodes, W.shape[1]), dtype=h.dtype).at[dst].add(msg)
    return out + b


def reference(x, edge_index, pred_edges, W1, b1, W2, b2, Wl, bl):
    num_nodes = x.shape[0]
    h = _gcn_conv(x, edge_index, W1, b1, num_nodes)
    h = _gcn_conv(h, edge_index, W2, b2, num_nodes)
    h = h.reshape(num_nodes, -1)
    h = h @ Wl + bl
    h = jax.nn.sigmoid(h)
    h = h.reshape(num_nodes, -1)  # [N, 1]
    matrix = h[pred_edges]        # [P, 2, 1]
    pred = matrix[:, 0] * matrix[:, 1]  # [P, 1]
    return jnp.transpose(pred, (1, 0)).reshape(-1)  # [P]


if False:  # reference __main__ guard neutralized (emitter)
    out = reference(**setup_inputs())
    print(out.shape, out.dtype)

if __name__ == "__main__":
    import jax
    _d = setup_inputs()
    print(jax.jit(kernel)(*tuple(_d.values())))

</pallas_src>

<mosaic_0001>
#map = affine_map<(d0, d1) -> (0)>
#map1 = affine_map<(d0, d1) -> (0, 0)>
module attributes {stable_mosaic.version = 14 : i64} {
  func.func @_sc_scatter(%arg0: i32, %arg1: i32, %arg2: memref<10000xf32, #tpu.memory_space<hbm>>, %arg3: memref<2x320000xi32, #tpu.memory_space<hbm>>, %arg4: memref<32x10000xf32, #tpu.memory_space<hbm>>, %arg5: memref<10000xf32, #tpu.memory_space<vmem>>, %arg6: memref<2x10112xi32, #tpu.memory_space<vmem>>, %arg7: memref<10000xf32, #tpu.memory_space<vmem>>) attributes {dimension_semantics = [#tpu.dimension_semantics<core_parallel>, #tpu.dimension_semantics<subcore_parallel>], iteration_bounds = array<i64: 2, 16>, scalar_prefetch = 0 : i64, scratch_operands = 3 : i64, tpu.core_type = #tpu.core_type<sc_vector_subcore>, window_params = [{transform_indices = #map}, {transform_indices = #map1}, {transform_indices = #map1}]} {
    %mul3A = arith.constant 2 : i32
    %mul3A_0 = arith.muli %arg1, %mul3A : i32
    %add3A = arith.addi %mul3A_0, %arg0 : i32
    %mul3A_1 = arith.constant 10000 : i32
    %mul3A_2 = arith.muli %add3A, %mul3A_1 : i32
    %rem3A = arith.constant 128 : i32
    %rem3A_3 = arith.remsi %mul3A_2, %rem3A : i32
    %sub3A = arith.subi %mul3A_2, %rem3A_3 : i32
    %multiple_of3A = tpu.assume_multiple %sub3A, 128 : i32
    "tpu.region"() ({
      %run_scoped3A = tpu.sem_alloc : memref<!tpu.dma_semaphore, #tpu.memory_space<semaphore_mem>>
      tpu.enqueue_dma source(%arg2 : memref<10000xf32, #tpu.memory_space<hbm>>) target(%arg5 : memref<10000xf32, #tpu.memory_space<vmem>>) target_semaphore(%run_scoped3A : memref<!tpu.dma_semaphore, #tpu.memory_space<semaphore_mem>>)
      tpu.wait_dma2 semaphore(%run_scoped3A : memref<!tpu.dma_semaphore, #tpu.memory_space<semaphore_mem>>) src(%arg2 : memref<10000xf32, #tpu.memory_space<hbm>>) dst(%arg5 : memref<10000xf32, #tpu.memory_space<vmem>>)
      tpu.yield
    }) : () -> ()
    "tpu.region"() ({
      %run_scoped3A = tpu.sem_alloc : memref<!tpu.dma_semaphore, #tpu.memory_space<semaphore_mem>>
      %dma_start3A = arith.constant 0 : i32
      %dma_start3A_13 = tpu.memref_slice %arg3[%dma_start3A, %multiple_of3A] : memref<2x320000xi32, #tpu.memory_space<hbm>> -> memref<2x10112xi32, #tpu.memory_space<hbm>>
      %dma_start3A_14 = arith.constant 0 : i32
      %dma_start3A_15 = tpu.memref_slice %arg3[%dma_start3A_14, %multiple_of3A] : memref<2x320000xi32, #tpu.memory_space<hbm>> -> memref<2x10112xi32, #tpu.memory_space<hbm>>
      tpu.enqueue_dma source(%dma_start3A_15 : memref<2x10112xi32, #tpu.memory_space<hbm>>) target(%arg6 : memref<2x10112xi32, #tpu.memory_space<vmem>>) target_semaphore(%run_scoped3A : memref<!tpu.dma_semaphore, #tpu.memory_space<semaphore_mem>>)
      %dma_wait3A = arith.constant 0 : i32
      %dma_wait3A_16 = tpu.memref_slice %arg3[%dma_wait3A, %multiple_of3A] : memref<2x320000xi32, #tpu.memory_space<hbm>> -> memref<2x10112xi32, #tpu.memory_space<hbm>>
      %dma_wait3A_17 = arith.constant 0 : i32
      %dma_wait3A_18 = tpu.memref_slice %arg3[%dma_wait3A_17, %multiple_of3A] : memref<2x320000xi32, #tpu.memory_space<hbm>> -> memref<2x10112xi32, #tpu.memory_space<hbm>>
      tpu.wait_dma2 semaphore(%run_scoped3A : memref<!tpu.dma_semaphore, #tpu.memory_space<semaphore_mem>>) src(%dma_wait3A_18 : memref<2x10112xi32, #tpu.memory_space<hbm>>) dst(%arg6 : memref<2x10112xi32, #tpu.memory_space<vmem>>)
      tpu.yield
    }) : () -> ()
    %scan3A = arith.constant 0 : i32
    %scan3A_4 = arith.constant 625 : i32
    %scan3A_5 = arith.addi %scan3A, %scan3A_4 : i32
    %scan3A_6 = arith.constant 1 : i32
    scf.for %scan3A_13 = %scan3A to %scan3A_5 step %scan3A_6  : i32 {
      %broadcast_in_dim3A = arith.constant 0.000000e+00 : f32
      %broadcast_in_dim3A_14 = vector.broadcast %broadcast_in_dim3A : f32 to vector<16xf32>
      %mul3A_15 = arith.constant 16 : i32
      %mul3A_16 = arith.muli %scan3A_13, %mul3A_15 : i32
      %swap3A = arith.index_cast %mul3A_16 : i32 to index
      %swap3A_17 = tpu.vector_load %arg7[%swap3A] {strides = array<i32>} : memref<10000xf32, #tpu.memory_space<vmem>>, vector<16xf32>,
      tpu.vector_store %arg7[%swap3A], %broadcast_in_dim3A_14 {strides = array<i32>} : memref<10000xf32, #tpu.memory_space<vmem>>, vector<16xf32>,
    }
    %scan3A_7 = arith.constant 625 : i32
    %scan3A_8 = arith.constant 0 : i32
    %scan3A_9 = arith.constant 625 : i32
    %scan3A_10 = arith.addi %scan3A_8, %scan3A_9 : i32
    %scan3A_11 = arith.constant 1 : i32
    scf.for %scan3A_13 = %scan3A_8 to %scan3A_10 step %scan3A_11  : i32 {
      %mul3A_14 = arith.constant 16 : i32
      %mul3A_15 = arith.muli %scan3A_13, %mul3A_14 : i32
      %add3A_16 = arith.addi %rem3A_3, %mul3A_15 : i32
      %get3A = arith.constant 0 : i32
      %get3A_17 = arith.index_cast %get3A : i32 to index
      %get3A_18 = arith.index_cast %add3A_16 : i32 to index
      %get3A_19 = tpu.vector_load %arg6[%get3A_17, %get3A_18] {strides = array<i32>} : memref<2x10112xi32, #tpu.memory_space<vmem>>, vector<16xi32>,
      %get3A_20 = arith.constant 1 : i32
      %get3A_21 = arith.index_cast %get3A_20 : i32 to index
      %get3A_22 = arith.index_cast %add3A_16 : i32 to index
      %get3A_23 = tpu.vector_load %arg6[%get3A_21, %get3A_22] {strides = array<i32>} : memref<2x10112xi32, #tpu.memory_space<vmem>>, vector<16xi32>,
      %gather3A = tpu.vector_load_idx %arg5[%get3A_19] : memref<10000xf32, #tpu.memory_space<vmem>>[vector<16xi32>], vector<16xf32>,
      tpu.vector_store_idx %arg7[%get3A_23], %gather3A {add = true} : memref<10000xf32, #tpu.memory_space<vmem>>[vector<16xi32>], vector<16xf32>,
    }
    %scan3A_12 = arith.constant 625 : i32
    "tpu.region"() ({
      %run_scoped3A = tpu.sem_alloc : memref<!tpu.dma_semaphore, #tpu.memory_space<semaphore_mem>>
      %dma_start3A = arith.constant 0 : i32
      %dma_start3A_13 = tpu.memref_slice %arg4[%add3A, %dma_start3A] : memref<32x10000xf32, #tpu.memory_space<hbm>> -> memref<1x10000xf32, #tpu.memory_space<hbm>>
      %dma_start3A_14 = tpu.memref_squeeze %dma_start3A_13 : memref<1x10000xf32, #tpu.memory_space<hbm>> -> memref<10000xf32, #tpu.memory_space<hbm>>
      %dma_start3A_15 = arith.constant 0 : i32
      %dma_start3A_16 = tpu.memref_slice %arg4[%add3A, %dma_start3A_15] : memref<32x10000xf32, #tpu.memory_space<hbm>> -> memref<1x10000xf32, #tpu.memory_space<hbm>>
      %dma_start3A_17 = tpu.memref_squeeze %dma_start3A_16 : memref<1x10000xf32, #tpu.memory_space<hbm>> -> memref<10000xf32, #tpu.memory_space<hbm>>
      tpu.enqueue_dma source(%arg7 : memref<10000xf32, #tpu.memory_space<vmem>>) target(%dma_start3A_17 : memref<10000xf32, #tpu.memory_space<hbm>>) target_semaphore(%run_scoped3A : memref<!tpu.dma_semaphore, #tpu.memory_space<semaphore_mem>>)
      %dma_wait3A = arith.constant 0 : i32
      %dma_wait3A_18 = tpu.memref_slice %arg4[%add3A, %dma_wait3A] : memref<32x10000xf32, #tpu.memory_space<hbm>> -> memref<1x10000xf32, #tpu.memory_space<hbm>>
      %dma_wait3A_19 = tpu.memref_squeeze %dma_wait3A_18 : memref<1x10000xf32, #tpu.memory_space<hbm>> -> memref<10000xf32, #tpu.memory_space<hbm>>
      %dma_wait3A_20 = arith.constant 0 : i32
      %dma_wait3A_21 = tpu.memref_slice %arg4[%add3A, %dma_wait3A_20] : memref<32x10000xf32, #tpu.memory_space<hbm>> -> memref<1x10000xf32, #tpu.memory_space<hbm>>
      %dma_wait3A_22 = tpu.memref_squeeze %dma_wait3A_21 : memref<1x10000xf32, #tpu.memory_space<hbm>> -> memref<10000xf32, #tpu.memory_space<hbm>>
      tpu.wait_dma2 semaphore(%run_scoped3A : memref<!tpu.dma_semaphore, #tpu.memory_space<semaphore_mem>>) src(%arg7 : memref<10000xf32, #tpu.memory_space<vmem>>) dst(%dma_wait3A_22 : memref<10000xf32, #tpu.memory_space<hbm>>)
      tpu.yield
    }) : () -> ()
    return
  }
}

#map = affine_map<(d0, d1) -> (0)>
#map1 = affine_map<(d0, d1) -> (0, 0)>
module attributes {stable_mosaic.version = 14 : i64} {
  func.func @_sc_scatter(%arg0: i32, %arg1: i32, %arg2: memref<10000xf32, #tpu.memory_space<hbm>>, %arg3: memref<2x320000xi32, #tpu.memory_space<hbm>>, %arg4: memref<32x10000xf32, #tpu.memory_space<hbm>>, %arg5: memref<10000xf32, #tpu.memory_space<vmem>>, %arg6: memref<2x10112xi32, #tpu.memory_space<vmem>>, %arg7: memref<10000xf32, #tpu.memory_space<vmem>>) attributes {dimension_semantics = [#tpu.dimension_semantics<core_parallel>, #tpu.dimension_semantics<subcore_parallel>], iteration_bounds = array<i64: 2, 16>, scalar_prefetch = 0 : i64, scratch_operands = 3 : i64, tpu.core_type = #tpu.core_type<sc_vector_subcore>, window_params = [{transform_indices = #map}, {transform_indices = #map1}, {transform_indices = #map1}]} {
    %mul3A = arith.constant 2 : i32
    %mul3A_0 = arith.muli %arg1, %mul3A : i32
    %add3A = arith.addi %mul3A_0, %arg0 : i32
    %mul3A_1 = arith.constant 10000 : i32
    %mul3A_2 = arith.muli %add3A, %mul3A_1 : i32
    %rem3A = arith.constant 128 : i32
    %rem3A_3 = arith.remsi %mul3A_2, %rem3A : i32
    %sub3A = arith.subi %mul3A_2, %rem3A_3 : i32
    %multiple_of3A = tpu.assume_multiple %sub3A, 128 : i32
    "tpu.region"() ({
      %run_scoped3A = tpu.sem_alloc : memref<!tpu.dma_semaphore, #tpu.memory_space<semaphore_mem>>
      tpu.enqueue_dma source(%arg2 : memref<10000xf32, #tpu.memory_space<hbm>>) target(%arg5 : memref<10000xf32, #tpu.memory_space<vmem>>) target_semaphore(%run_scoped3A : memref<!tpu.dma_semaphore, #tpu.memory_space<semaphore_mem>>)
      tpu.wait_dma2 semaphore(%run_scoped3A : memref<!tpu.dma_semaphore, #tpu.memory_space<semaphore_mem>>) src(%arg2 : memref<10000xf32, #tpu.memory_space<hbm>>) dst(%arg5 : memref<10000xf32, #tpu.memory_space<vmem>>)
      tpu.yield
    }) : () -> ()
    "tpu.region"() ({
      %run_scoped3A = tpu.sem_alloc : memref<!tpu.dma_semaphore, #tpu.memory_space<semaphore_mem>>
      %dma_start3A = arith.constant 0 : i32
      %dma_start3A_13 = tpu.memref_slice %arg3[%dma_start3A, %multiple_of3A] : memref<2x320000xi32, #tpu.memory_space<hbm>> -> memref<2x10112xi32, #tpu.memory_space<hbm>>
      %dma_start3A_14 = arith.constant 0 : i32
      %dma_start3A_15 = tpu.memref_slice %arg3[%dma_start3A_14, %multiple_of3A] : memref<2x320000xi32, #tpu.memory_space<hbm>> -> memref<2x10112xi32, #tpu.memory_space<hbm>>
      tpu.enqueue_dma source(%dma_start3A_15 : memref<2x10112xi32, #tpu.memory_space<hbm>>) target(%arg6 : memref<2x10112xi32, #tpu.memory_space<vmem>>) target_semaphore(%run_scoped3A : memref<!tpu.dma_semaphore, #tpu.memory_space<semaphore_mem>>)
      %dma_wait3A = arith.constant 0 : i32
      %dma_wait3A_16 = tpu.memref_slice %arg3[%dma_wait3A, %multiple_of3A] : memref<2x320000xi32, #tpu.memory_space<hbm>> -> memref<2x10112xi32, #tpu.memory_space<hbm>>
      %dma_wait3A_17 = arith.constant 0 : i32
      %dma_wait3A_18 = tpu.memref_slice %arg3[%dma_wait3A_17, %multiple_of3A] : memref<2x320000xi32, #tpu.memory_space<hbm>> -> memref<2x10112xi32, #tpu.memory_space<hbm>>
      tpu.wait_dma2 semaphore(%run_scoped3A : memref<!tpu.dma_semaphore, #tpu.memory_space<semaphore_mem>>) src(%dma_wait3A_18 : memref<2x10112xi32, #tpu.memory_space<hbm>>) dst(%arg6 : memref<2x10112xi32, #tpu.memory_space<vmem>>)
      tpu.yield
    }) : () -> ()
    %scan3A = arith.constant 0 : i32
    %scan3A_4 = arith.constant 625 : i32
    %scan3A_5 = arith.addi %scan3A, %scan3A_4 : i32
    %scan3A_6 = arith.constant 1 : i32
    scf.for %scan3A_13 = %scan3A to %scan3A_5 step %scan3A_6  : i32 {
      %broadcast_in_dim3A = arith.constant 0.000000e+00 : f32
      %broadcast_in_dim3A_14 = vector.broadcast %broadcast_in_dim3A : f32 to vector<16xf32>
      %mul3A_15 = arith.constant 16 : i32
      %mul3A_16 = arith.muli %scan3A_13, %mul3A_15 : i32
      %swap3A = arith.index_cast %mul3A_16 : i32 to index
      %swap3A_17 = tpu.vector_load %arg7[%swap3A] {strides = array<i32>} : memref<10000xf32, #tpu.memory_space<vmem>>, vector<16xf32>,
      tpu.vector_store %arg7[%swap3A], %broadcast_in_dim3A_14 {strides = array<i32>} : memref<10000xf32, #tpu.memory_space<vmem>>, vector<16xf32>,
    }
    %scan3A_7 = arith.constant 625 : i32
    %scan3A_8 = arith.constant 0 : i32
    %scan3A_9 = arith.constant 625 : i32
    %scan3A_10 = arith.addi %scan3A_8, %scan3A_9 : i32
    %scan3A_11 = arith.constant 1 : i32
    scf.for %scan3A_13 = %scan3A_8 to %scan3A_10 step %scan3A_11  : i32 {
      %mul3A_14 = arith.constant 16 : i32
      %mul3A_15 = arith.muli %scan3A_13, %mul3A_14 : i32
      %add3A_16 = arith.addi %rem3A_3, %mul3A_15 : i32
      %get3A = arith.constant 0 : i32
      %get3A_17 = arith.index_cast %get3A : i32 to index
      %get3A_18 = arith.index_cast %add3A_16 : i32 to index
      %get3A_19 = tpu.vector_load %arg6[%get3A_17, %get3A_18] {strides = array<i32>} : memref<2x10112xi32, #tpu.memory_space<vmem>>, vector<16xi32>,
      %get3A_20 = arith.constant 1 : i32
      %get3A_21 = arith.index_cast %get3A_20 : i32 to index
      %get3A_22 = arith.index_cast %add3A_16 : i32 to index
      %get3A_23 = tpu.vector_load %arg6[%get3A_21, %get3A_22] {strides = array<i32>} : memref<2x10112xi32, #tpu.memory_space<vmem>>, vector<16xi32>,
      %gather3A = tpu.vector_load_idx %arg5[%get3A_19] : memref<10000xf32, #tpu.memory_space<vmem>>[vector<16xi32>], vector<16xf32>,
      tpu.vector_store_idx %arg7[%get3A_23], %gather3A {add = true} : memref<10000xf32, #tpu.memory_space<vmem>>[vector<16xi32>], vector<16xf32>,
    }
    %scan3A_12 = arith.constant 625 : i32
    "tpu.region"() ({
      %run_scoped3A = tpu.sem_alloc : memref<!tpu.dma_semaphore, #tpu.memory_space<semaphore_mem>>
      %dma_start3A = arith.constant 0 : i32
      %dma_start3A_13 = tpu.memref_slice %arg4[%add3A, %dma_start3A] : memref<32x10000xf32, #tpu.memory_space<hbm>> -> memref<1x10000xf32, #tpu.memory_space<hbm>>
      %dma_start3A_14 = tpu.memref_squeeze %dma_start3A_13 : memref<1x10000xf32, #tpu.memory_space<hbm>> -> memref<10000xf32, #tpu.memory_space<hbm>>
      %dma_start3A_15 = arith.constant 0 : i32
      %dma_start3A_16 = tpu.memref_slice %arg4[%add3A, %dma_start3A_15] : memref<32x10000xf32, #tpu.memory_space<hbm>> -> memref<1x10000xf32, #tpu.memory_space<hbm>>
      %dma_start3A_17 = tpu.memref_squeeze %dma_start3A_16 : memref<1x10000xf32, #tpu.memory_space<hbm>> -> memref<10000xf32, #tpu.memory_space<hbm>>
      tpu.enqueue_dma source(%arg7 : memref<10000xf32, #tpu.memory_space<vmem>>) target(%dma_start3A_17 : memref<10000xf32, #tpu.memory_space<hbm>>) target_semaphore(%run_scoped3A : memref<!tpu.dma_semaphore, #tpu.memory_space<semaphore_mem>>)
      %dma_wait3A = arith.constant 0 : i32
      %dma_wait3A_18 = tpu.memref_slice %arg4[%add3A, %dma_wait3A] : memref<32x10000xf32, #tpu.memory_space<hbm>> -> memref<1x10000xf32, #tpu.memory_space<hbm>>
      %dma_wait3A_19 = tpu.memref_squeeze %dma_wait3A_18 : memref<1x10000xf32, #tpu.memory_space<hbm>> -> memref<10000xf32, #tpu.memory_space<hbm>>
      %dma_wait3A_20 = arith.constant 0 : i32
      %dma_wait3A_21 = tpu.memref_slice %arg4[%add3A, %dma_wait3A_20] : memref<32x10000xf32, #tpu.memory_space<hbm>> -> memref<1x10000xf32, #tpu.memory_space<hbm>>
      %dma_wait3A_22 = tpu.memref_squeeze %dma_wait3A_21 : memref<1x10000xf32, #tpu.memory_space<hbm>> -> memref<10000xf32, #tpu.memory_space<hbm>>
      tpu.wait_dma2 semaphore(%run_scoped3A : memref<!tpu.dma_semaphore, #tpu.memory_space<semaphore_mem>>) src(%arg7 : memref<10000xf32, #tpu.memory_space<vmem>>) dst(%dma_wait3A_22 : memref<10000xf32, #tpu.memory_space<hbm>>)
      tpu.yield
    }) : () -> ()
    return
  }
}

#map = affine_map<(d0, d1) -> (0, 0)>
module attributes {stable_mosaic.version = 14 : i64} {
  func.func @_sc_degree(%arg0: i32, %arg1: i32, %arg2: memref<2x320000xi32, #tpu.memory_space<hbm>>, %arg3: memref<32x10000xf32, #tpu.memory_space<hbm>>, %arg4: memref<2x10112xi32, #tpu.memory_space<vmem>>, %arg5: memref<10000xf32, #tpu.memory_space<vmem>>) attributes {dimension_semantics = [#tpu.dimension_semantics<core_parallel>, #tpu.dimension_semantics<subcore_parallel>], iteration_bounds = array<i64: 2, 16>, scalar_prefetch = 0 : i64, scratch_operands = 2 : i64, tpu.core_type = #tpu.core_type<sc_vector_subcore>, window_params = [{transform_indices = #map}, {transform_indices = #map}]} {
    %mul3A = arith.constant 2 : i32
    %mul3A_0 = arith.muli %arg1, %mul3A : i32
    %add3A = arith.addi %mul3A_0, %arg0 : i32
    %mul3A_1 = arith.constant 10000 : i32
    %mul3A_2 = arith.muli %add3A, %mul3A_1 : i32
    %rem3A = arith.constant 128 : i32
    %rem3A_3 = arith.remsi %mul3A_2, %rem3A : i32
    %sub3A = arith.subi %mul3A_2, %rem3A_3 : i32
    %multiple_of3A = tpu.assume_multiple %sub3A, 128 : i32
    "tpu.region"() ({
      %run_scoped3A = tpu.sem_alloc : memref<!tpu.dma_semaphore, #tpu.memory_space<semaphore_mem>>
      %dma_start3A = arith.constant 0 : i32
      %dma_start3A_14 = tpu.memref_slice %arg2[%dma_start3A, %multiple_of3A] : memref<2x320000xi32, #tpu.memory_space<hbm>> -> memref<2x10112xi32, #tpu.memory_space<hbm>>
      %dma_start3A_15 = arith.constant 0 : i32
      %dma_start3A_16 = tpu.memref_slice %arg2[%dma_start3A_15, %multiple_of3A] : memref<2x320000xi32, #tpu.memory_space<hbm>> -> memref<2x10112xi32, #tpu.memory_space<hbm>>
      tpu.enqueue_dma source(%dma_start3A_16 : memref<2x10112xi32, #tpu.memory_space<hbm>>) target(%arg4 : memref<2x10112xi32, #tpu.memory_space<vmem>>) target_semaphore(%run_scoped3A : memref<!tpu.dma_semaphore, #tpu.memory_space<semaphore_mem>>)
      %dma_wait3A = arith.constant 0 : i32
      %dma_wait3A_17 = tpu.memref_slice %arg2[%dma_wait3A, %multiple_of3A] : memref<2x320000xi32, #tpu.memory_space<hbm>> -> memref<2x10112xi32, #tpu.memory_space<hbm>>
      %dma_wait3A_18 = arith.constant 0 : i32
      %dma_wait3A_19 = tpu.memref_slice %arg2[%dma_wait3A_18, %multiple_of3A] : memref<2x320000xi32, #tpu.memory_space<hbm>> -> memref<2x10112xi32, #tpu.memory_space<hbm>>
      tpu.wait_dma2 semaphore(%run_scoped3A : memref<!tpu.dma_semaphore, #tpu.memory_space<semaphore_mem>>) src(%dma_wait3A_19 : memref<2x10112xi32, #tpu.memory_space<hbm>>) dst(%arg4 : memref<2x10112xi32, #tpu.memory_space<vmem>>)
      tpu.yield
    }) : () -> ()
    %scan3A = arith.constant 0 : i32
    %scan3A_4 = arith.constant 625 : i32
    %scan3A_5 = arith.addi %scan3A, %scan3A_4 : i32
    %scan3A_6 = arith.constant 1 : i32
    scf.for %scan3A_14 = %scan3A to %scan3A_5 step %scan3A_6  : i32 {
      %broadcast_in_dim3A_15 = arith.constant 0.000000e+00 : f32
      %broadcast_in_dim3A_16 = vector.broadcast %broadcast_in_dim3A_15 : f32 to vector<16xf32>
      %mul3A_17 = arith.constant 16 : i32
      %mul3A_18 = arith.muli %scan3A_14, %mul3A_17 : i32
      %swap3A = arith.index_cast %mul3A_18 : i32 to index
      %swap3A_19 = tpu.vector_load %arg5[%swap3A] {strides = array<i32>} : memref<10000xf32, #tpu.memory_space<vmem>>, vector<16xf32>,
      tpu.vector_store %arg5[%swap3A], %broadcast_in_dim3A_16 {strides = array<i32>} : memref<10000xf32, #tpu.memory_space<vmem>>, vector<16xf32>,
    }
    %scan3A_7 = arith.constant 625 : i32
    %broadcast_in_dim3A = arith.constant 1.000000e+00 : f32
    %broadcast_in_dim3A_8 = vector.broadcast %broadcast_in_dim3A : f32 to vector<16xf32>
    %scan3A_9 = arith.constant 0 : i32
    %scan3A_10 = arith.constant 625 : i32
    %scan3A_11 = arith.addi %scan3A_9, %scan3A_10 : i32
    %scan3A_12 = arith.constant 1 : i32
    scf.for %scan3A_14 = %scan3A_9 to %scan3A_11 step %scan3A_12  : i32 {
      %mul3A_15 = arith.constant 16 : i32
      %mul3A_16 = arith.muli %scan3A_14, %mul3A_15 : i32
      %add3A_17 = arith.addi %rem3A_3, %mul3A_16 : i32
      %get3A = arith.constant 1 : i32
      %get3A_18 = arith.index_cast %get3A : i32 to index
      %get3A_19 = arith.index_cast %add3A_17 : i32 to index
      %get3A_20 = tpu.vector_load %arg4[%get3A_18, %get3A_19] {strides = array<i32>} : memref<2x10112xi32, #tpu.memory_space<vmem>>, vector<16xi32>,
      tpu.vector_store_idx %arg5[%get3A_20], %broadcast_in_dim3A_8 {add = true} : memref<10000xf32, #tpu.memory_space<vmem>>[vector<16xi32>], vector<16xf32>,
    }
    %scan3A_13 = arith.constant 625 : i32
    "tpu.region"() ({
      %run_scoped3A = tpu.sem_alloc : memref<!tpu.dma_semaphore, #tpu.memory_space<semaphore_mem>>
      %dma_start3A = arith.constant 0 : i32
      %dma_start3A_14 = tpu.memref_slice %arg3[%add3A, %dma_start3A] : memref<32x10000xf32, #tpu.memory_space<hbm>> -> memref<1x10000xf32, #tpu.memory_space<hbm>>
      %dma_start3A_15 = tpu.memref_squeeze %dma_start3A_14 : memref<1x10000xf32, #tpu.memory_space<hbm>> -> memref<10000xf32, #tpu.memory_space<hbm>>
      %dma_start3A_16 = arith.constant 0 : i32
      %dma_start3A_17 = tpu.memref_slice %arg3[%add3A, %dma_start3A_16] : memref<32x10000xf32, #tpu.memory_space<hbm>> -> memref<1x10000xf32, #tpu.memory_space<hbm>>
      %dma_start3A_18 = tpu.memref_squeeze %dma_start3A_17 : memref<1x10000xf32, #tpu.memory_space<hbm>> -> memref<10000xf32, #tpu.memory_space<hbm>>
      tpu.enqueue_dma source(%arg5 : memref<10000xf32, #tpu.memory_space<vmem>>) target(%dma_start3A_18 : memref<10000xf32, #tpu.memory_space<hbm>>) target_semaphore(%run_scoped3A : memref<!tpu.dma_semaphore, #tpu.memory_space<semaphore_mem>>)
      %dma_wait3A = arith.constant 0 : i32
      %dma_wait3A_19 = tpu.memref_slice %arg3[%add3A, %dma_wait3A] : memref<32x10000xf32, #tpu.memory_space<hbm>> -> memref<1x10000xf32, #tpu.memory_space<hbm>>
      %dma_wait3A_20 = tpu.memref_squeeze %dma_wait3A_19 : memref<1x10000xf32, #tpu.memory_space<hbm>> -> memref<10000xf32, #tpu.memory_space<hbm>>
      %dma_wait3A_21 = arith.constant 0 : i32
      %dma_wait3A_22 = tpu.memref_slice %arg3[%add3A, %dma_wait3A_21] : memref<32x10000xf32, #tpu.memory_space<hbm>> -> memref<1x10000xf32, #tpu.memory_space<hbm>>
      %dma_wait3A_23 = tpu.memref_squeeze %dma_wait3A_22 : memref<1x10000xf32, #tpu.memory_space<hbm>> -> memref<10000xf32, #tpu.memory_space<hbm>>
      tpu.wait_dma2 semaphore(%run_scoped3A : memref<!tpu.dma_semaphore, #tpu.memory_space<semaphore_mem>>) src(%arg5 : memref<10000xf32, #tpu.memory_space<vmem>>) dst(%dma_wait3A_23 : memref<10000xf32, #tpu.memory_space<hbm>>)
      tpu.yield
    }) : () -> ()
    return
  }
}

#map = affine_map<(d0, d1) -> (0)>
#map1 = affine_map<(d0, d1) -> (0, 0)>
module attributes {stable_mosaic.version = 14 : i64} {
  func.func @_sc_pair_gather(%arg0: i32, %arg1: i32, %arg2: memref<10000xf32, #tpu.memory_space<hbm>>, %arg3: memref<2x200064xi32, #tpu.memory_space<hbm>>, %arg4: memref<200000xf32, #tpu.memory_space<hbm>>, %arg5: memref<10000xf32, #tpu.memory_space<vmem>>, %arg6: memref<2x6400xi32, #tpu.memory_space<vmem>>, %arg7: memref<6256xf32, #tpu.memory_space<vmem>>) attributes {dimension_semantics = [#tpu.dimension_semantics<core_parallel>, #tpu.dimension_semantics<subcore_parallel>], iteration_bounds = array<i64: 2, 16>, scalar_prefetch = 0 : i64, scratch_operands = 3 : i64, tpu.core_type = #tpu.core_type<sc_vector_subcore>, window_params = [{transform_indices = #map}, {transform_indices = #map1}, {transform_indices = #map}]} {
    %mul3A = arith.constant 2 : i32
    %mul3A_0 = arith.muli %arg1, %mul3A : i32
    %add3A = arith.addi %mul3A_0, %arg0 : i32
    %mul3A_1 = arith.constant 6256 : i32
    %mul3A_2 = arith.muli %add3A, %mul3A_1 : i32
    %rem3A = arith.constant 128 : i32
    %rem3A_3 = arith.remsi %mul3A_2, %rem3A : i32
    %sub3A = arith.subi %mul3A_2, %rem3A_3 : i32
    %multiple_of3A = tpu.assume_multiple %sub3A, 128 : i32
    "tpu.region"() ({
      %run_scoped3A = tpu.sem_alloc : memref<!tpu.dma_semaphore, #tpu.memory_space<semaphore_mem>>
      tpu.enqueue_dma source(%arg2 : memref<10000xf32, #tpu.memory_space<hbm>>) target(%arg5 : memref<10000xf32, #tpu.memory_space<vmem>>) target_semaphore(%run_scoped3A : memref<!tpu.dma_semaphore, #tpu.memory_space<semaphore_mem>>)
      tpu.wait_dma2 semaphore(%run_scoped3A : memref<!tpu.dma_semaphore, #tpu.memory_space<semaphore_mem>>) src(%arg2 : memref<10000xf32, #tpu.memory_space<hbm>>) dst(%arg5 : memref<10000xf32, #tpu.memory_space<vmem>>)
      tpu.yield
    }) : () -> ()
    %lt3A = arith.constant 31 : i32
    %lt3A_4 = arith.cmpi slt, %add3A, %lt3A : i32
    %convert_element_type3A = arith.extui %lt3A_4 : i1 to i32
    %cond3A = arith.constant 0 : i32
    %cond3A_5 = arith.cmpi ne, %convert_element_type3A, %cond3A : i32
    scf.if %cond3A_5 {
      "tpu.region"() ({
        %run_scoped3A = tpu.sem_alloc : memref<!tpu.dma_semaphore, #tpu.memory_space<semaphore_mem>>
        %dma_start3A = arith.constant 0 : i32
        %dma_start3A_24 = arith.constant 0 : i32
        %dma_start3A_25 = tpu.memref_slice %arg6[%dma_start3A, %dma_start3A_24] : memref<2x6400xi32, #tpu.memory_space<vmem>> -> memref<2x6400xi32, #tpu.memory_space<vmem>>
        %dma_start3A_26 = arith.constant 0 : i32
        %dma_start3A_27 = tpu.memref_slice %arg3[%dma_start3A_26, %multiple_of3A] : memref<2x200064xi32, #tpu.memory_space<hbm>> -> memref<2x6400xi32, #tpu.memory_space<hbm>>
        %dma_start3A_28 = arith.constant 0 : i32
        %dma_start3A_29 = arith.constant 0 : i32
        %dma_start3A_30 = tpu.memref_slice %arg6[%dma_start3A_28, %dma_start3A_29] : memref<2x6400xi32, #tpu.memory_space<vmem>> -> memref<2x6400xi32, #tpu.memory_space<vmem>>
        %dma_start3A_31 = arith.constant 0 : i32
        %dma_start3A_32 = tpu.memref_slice %arg3[%dma_start3A_31, %multiple_of3A] : memref<2x200064xi32, #tpu.memory_space<hbm>> -> memref<2x6400xi32, #tpu.memory_space<hbm>>
        tpu.enqueue_dma source(%dma_start3A_32 : memref<2x6400xi32, #tpu.memory_space<hbm>>) target(%dma_start3A_30 : memref<2x6400xi32, #tpu.memory_space<vmem>>) target_semaphore(%run_scoped3A : memref<!tpu.dma_semaphore, #tpu.memory_space<semaphore_mem>>)
        %dma_wait3A = arith.constant 0 : i32
        %dma_wait3A_33 = arith.constant 0 : i32
        %dma_wait3A_34 = tpu.memref_slice %arg6[%dma_wait3A, %dma_wait3A_33] : memref<2x6400xi32, #tpu.memory_space<vmem>> -> memref<2x6400xi32, #tpu.memory_space<vmem>>
        %dma_wait3A_35 = arith.constant 0 : i32
        %dma_wait3A_36 = tpu.memref_slice %arg3[%dma_wait3A_35, %multiple_of3A] : memref<2x200064xi32, #tpu.memory_space<hbm>> -> memref<2x6400xi32, #tpu.memory_space<hbm>>
        %dma_wait3A_37 = arith.constant 0 : i32
        %dma_wait3A_38 = arith.constant 0 : i32
        %dma_wait3A_39 = tpu.memref_slice %arg6[%dma_wait3A_37, %dma_wait3A_38] : memref<2x6400xi32, #tpu.memory_space<vmem>> -> memref<2x6400xi32, #tpu.memory_space<vmem>>
        %dma_wait3A_40 = arith.constant 0 : i32
        %dma_wait3A_41 = tpu.memref_slice %arg3[%dma_wait3A_40, %multiple_of3A] : memref<2x200064xi32, #tpu.memory_space<hbm>> -> memref<2x6400xi32, #tpu.memory_space<hbm>>
        tpu.wait_dma2 semaphore(%run_scoped3A : memref<!tpu.dma_semaphore, #tpu.memory_space<semaphore_mem>>) src(%dma_wait3A_41 : memref<2x6400xi32, #tpu.memory_space<hbm>>) dst(%dma_wait3A_39 : memref<2x6400xi32, #tpu.memory_space<vmem>>)
        tpu.yield
      }) : () -> ()
    } else {
    }
    %eq3A = arith.constant 31 : i32
    %eq3A_6 = arith.cmpi eq, %add3A, %eq3A : i32
    %convert_element_type3A_7 = arith.extui %eq3A_6 : i1 to i32
    %cond3A_8 = arith.constant 0 : i32
    %cond3A_9 = arith.cmpi ne, %convert_element_type3A_7, %cond3A_8 : i32
    scf.if %cond3A_9 {
      "tpu.region"() ({
        %run_scoped3A = tpu.sem_alloc : memref<!tpu.dma_semaphore, #tpu.memory_space<semaphore_mem>>
        %dma_start3A = arith.constant 0 : i32
        %dma_start3A_24 = arith.constant 0 : i32
        %dma_start3A_25 = tpu.memref_slice %arg6[%dma_start3A, %dma_start3A_24] : memref<2x6400xi32, #tpu.memory_space<vmem>> -> memref<2x6144xi32, #tpu.memory_space<vmem>>
        %dma_start3A_26 = arith.constant 0 : i32
        %dma_start3A_27 = tpu.memref_slice %arg3[%dma_start3A_26, %multiple_of3A] : memref<2x200064xi32, #tpu.memory_space<hbm>> -> memref<2x6144xi32, #tpu.memory_space<hbm>>
        %dma_start3A_28 = arith.constant 0 : i32
        %dma_start3A_29 = arith.constant 0 : i32
        %dma_start3A_30 = tpu.memref_slice %arg6[%dma_start3A_28, %dma_start3A_29] : memref<2x6400xi32, #tpu.memory_space<vmem>> -> memref<2x6144xi32, #tpu.memory_space<vmem>>
        %dma_start3A_31 = arith.constant 0 : i32
        %dma_start3A_32 = tpu.memref_slice %arg3[%dma_start3A_31, %multiple_of3A] : memref<2x200064xi32, #tpu.memory_space<hbm>> -> memref<2x6144xi32, #tpu.memory_space<hbm>>
        tpu.enqueue_dma source(%dma_start3A_32 : memref<2x6144xi32, #tpu.memory_space<hbm>>) target(%dma_start3A_30 : memref<2x6144xi32, #tpu.memory_space<vmem>>) target_semaphore(%run_scoped3A : memref<!tpu.dma_semaphore, #tpu.memory_space<semaphore_mem>>)
        %dma_wait3A = arith.constant 0 : i32
        %dma_wait3A_33 = arith.constant 0 : i32
        %dma_wait3A_34 = tpu.memref_slice %arg6[%dma_wait3A, %dma_wait3A_33] : memref<2x6400xi32, #tpu.memory_space<vmem>> -> memref<2x6144xi32, #tpu.memory_space<vmem>>
        %dma_wait3A_35 = arith.constant 0 : i32
        %dma_wait3A_36 = tpu.memref_slice %arg3[%dma_wait3A_35, %multiple_of3A] : memref<2x200064xi32, #tpu.memory_space<hbm>> -> memref<2x6144xi32, #tpu.memory_space<hbm>>
        %dma_wait3A_37 = arith.constant 0 : i32
        %dma_wait3A_38 = arith.constant 0 : i32
        %dma_wait3A_39 = tpu.memref_slice %arg6[%dma_wait3A_37, %dma_wait3A_38] : memref<2x6400xi32, #tpu.memory_space<vmem>> -> memref<2x6144xi32, #tpu.memory_space<vmem>>
        %dma_wait3A_40 = arith.constant 0 : i32
        %dma_wait3A_41 = tpu.memref_slice %arg3[%dma_wait3A_40, %multiple_of3A] : memref<2x200064xi32, #tpu.memory_space<hbm>> -> memref<2x6144xi32, #tpu.memory_space<hbm>>
        tpu.wait_dma2 semaphore(%run_scoped3A : memref<!tpu.dma_semaphore, #tpu.memory_space<semaphore_mem>>) src(%dma_wait3A_41 : memref<2x6144xi32, #tpu.memory_space<hbm>>) dst(%dma_wait3A_39 : memref<2x6144xi32, #tpu.memory_space<vmem>>)
        tpu.yield
      }) : () -> ()
    } else {
    }
    %scan3A = arith.constant 0 : i32
    %scan3A_10 = arith.constant 379 : i32
    %scan3A_11 = arith.addi %scan3A, %scan3A_10 : i32
    %scan3A_12 = arith.constant 1 : i32
    scf.for %scan3A_24 = %scan3A to %scan3A_11 step %scan3A_12  : i32 {
      %mul3A_25 = arith.constant 16 : i32
      %mul3A_26 = arith.muli %scan3A_24, %mul3A_25 : i32
      %add3A_27 = arith.addi %rem3A_3, %mul3A_26 : i32
      %get3A = arith.constant 0 : i32
      %get3A_28 = arith.index_cast %get3A : i32 to index
      %get3A_29 = arith.index_cast %add3A_27 : i32 to index
      %get3A_30 = tpu.vector_load %arg6[%get3A_28, %get3A_29] {strides = array<i32>} : memref<2x6400xi32, #tpu.memory_space<vmem>>, vector<16xi32>,
      %get3A_31 = arith.constant 1 : i32
      %get3A_32 = arith.index_cast %get3A_31 : i32 to index
      %get3A_33 = arith.index_cast %add3A_27 : i32 to index
      %get3A_34 = tpu.vector_load %arg6[%get3A_32, %get3A_33] {strides = array<i32>} : memref<2x6400xi32, #tpu.memory_space<vmem>>, vector<16xi32>,
      %gather3A = tpu.vector_load_idx %arg5[%get3A_30] : memref<10000xf32, #tpu.memory_space<vmem>>[vector<16xi32>], vector<16xf32>,
      %gather3A_35 = tpu.vector_load_idx %arg5[%get3A_34] : memref<10000xf32, #tpu.memory_space<vmem>>[vector<16xi32>], vector<16xf32>,
      %mul3A_36 = arith.mulf %gather3A, %gather3A_35 : vector<16xf32>
      %mul3A_37 = arith.constant 16 : i32
      %mul3A_38 = arith.muli %scan3A_24, %mul3A_37 : i32
      %swap3A = arith.index_cast %mul3A_38 : i32 to index
      %swap3A_39 = tpu.vector_load %arg7[%swap3A] {strides = array<i32>} : memref<6256xf32, #tpu.memory_space<vmem>>, vector<16xf32>,
      tpu.vector_store %arg7[%swap3A], %mul3A_36 {strides = array<i32>} : memref<6256xf32, #tpu.memory_space<vmem>>, vector<16xf32>,
    }
    %scan3A_13 = arith.constant 379 : i32
    %lt3A_14 = arith.constant 31 : i32
    %lt3A_15 = arith.cmpi slt, %add3A, %lt3A_14 : i32
    %convert_element_type3A_16 = arith.extui %lt3A_15 : i1 to i32
    %cond3A_17 = arith.constant 0 : i32
    %cond3A_18 = arith.cmpi ne, %convert_element_type3A_16, %cond3A_17 : i32
    scf.if %cond3A_18 {
      %scan3A_24 = arith.constant 379 : i32
      %scan3A_25 = arith.constant 12 : i32
      %scan3A_26 = arith.addi %scan3A_24, %scan3A_25 : i32
      %scan3A_27 = arith.constant 1 : i32
      scf.for %scan3A_29 = %scan3A_24 to %scan3A_26 step %scan3A_27  : i32 {
        %mul3A_30 = arith.constant 16 : i32
        %mul3A_31 = arith.muli %scan3A_29, %mul3A_30 : i32
        %add3A_32 = arith.addi %rem3A_3, %mul3A_31 : i32
        %get3A = arith.constant 0 : i32
        %get3A_33 = arith.index_cast %get3A : i32 to index
        %get3A_34 = arith.index_cast %add3A_32 : i32 to index
        %get3A_35 = tpu.vector_load %arg6[%get3A_33, %get3A_34] {strides = array<i32>} : memref<2x6400xi32, #tpu.memory_space<vmem>>, vector<16xi32>,
        %get3A_36 = arith.constant 1 : i32
        %get3A_37 = arith.index_cast %get3A_36 : i32 to index
        %get3A_38 = arith.index_cast %add3A_32 : i32 to index
        %get3A_39 = tpu.vector_load %arg6[%get3A_37, %get3A_38] {strides = array<i32>} : memref<2x6400xi32, #tpu.memory_space<vmem>>, vector<16xi32>,
        %gather3A = tpu.vector_load_idx %arg5[%get3A_35] : memref<10000xf32, #tpu.memory_space<vmem>>[vector<16xi32>], vector<16xf32>,
        %gather3A_40 = tpu.vector_load_idx %arg5[%get3A_39] : memref<10000xf32, #tpu.memory_space<vmem>>[vector<16xi32>], vector<16xf32>,
        %mul3A_41 = arith.mulf %gather3A, %gather3A_40 : vector<16xf32>
        %mul3A_42 = arith.constant 16 : i32
        %mul3A_43 = arith.muli %scan3A_29, %mul3A_42 : i32
        %swap3A = arith.index_cast %mul3A_43 : i32 to index
        %swap3A_44 = tpu.vector_load %arg7[%swap3A] {strides = array<i32>} : memref<6256xf32, #tpu.memory_space<vmem>>, vector<16xf32>,
        tpu.vector_store %arg7[%swap3A], %mul3A_41 {strides = array<i32>} : memref<6256xf32, #tpu.memory_space<vmem>>, vector<16xf32>,
      }
      %scan3A_28 = arith.constant 12 : i32
    } else {
    }
    "tpu.region"() ({
      %run_scoped3A = tpu.sem_alloc : memref<!tpu.dma_semaphore, #tpu.memory_space<semaphore_mem>>
      %dma_start3A = arith.constant 0 : i32
      %dma_start3A_24 = tpu.memref_slice %arg7[%dma_start3A] : memref<6256xf32, #tpu.memory_space<vmem>> -> memref<6064xf32, #tpu.memory_space<vmem>>
      %dma_start3A_25 = tpu.memref_slice %arg4[%mul3A_2] : memref<200000xf32, #tpu.memory_space<hbm>> -> memref<6064xf32, #tpu.memory_space<hbm>>
      %dma_start3A_26 = tpu.memref_slice %arg4[%mul3A_2] : memref<200000xf32, #tpu.memory_space<hbm>> -> memref<6064xf32, #tpu.memory_space<hbm>>
      %dma_start3A_27 = arith.constant 0 : i32
      %dma_start3A_28 = tpu.memref_slice %arg7[%dma_start3A_27] : memref<6256xf32, #tpu.memory_space<vmem>> -> memref<6064xf32, #tpu.memory_space<vmem>>
      tpu.enqueue_dma source(%dma_start3A_28 : memref<6064xf32, #tpu.memory_space<vmem>>) target(%dma_start3A_26 : memref<6064xf32, #tpu.memory_space<hbm>>) target_semaphore(%run_scoped3A : memref<!tpu.dma_semaphore, #tpu.memory_space<semaphore_mem>>)
      %dma_wait3A = arith.constant 0 : i32
      %dma_wait3A_29 = tpu.memref_slice %arg7[%dma_wait3A] : memref<6256xf32, #tpu.memory_space<vmem>> -> memref<6064xf32, #tpu.memory_space<vmem>>
      %dma_wait3A_30 = tpu.memref_slice %arg4[%mul3A_2] : memref<200000xf32, #tpu.memory_space<hbm>> -> memref<6064xf32, #tpu.memory_space<hbm>>
      %dma_wait3A_31 = tpu.memref_slice %arg4[%mul3A_2] : memref<200000xf32, #tpu.memory_space<hbm>> -> memref<6064xf32, #tpu.memory_space<hbm>>
      %dma_wait3A_32 = arith.constant 0 : i32
      %dma_wait3A_33 = tpu.memref_slice %arg7[%dma_wait3A_32] : memref<6256xf32, #tpu.memory_space<vmem>> -> memref<6064xf32, #tpu.memory_space<vmem>>
      tpu.wait_dma2 semaphore(%run_scoped3A : memref<!tpu.dma_semaphore, #tpu.memory_space<semaphore_mem>>) src(%dma_wait3A_33 : memref<6064xf32, #tpu.memory_space<vmem>>) dst(%dma_wait3A_31 : memref<6064xf32, #tpu.memory_space<hbm>>)
      tpu.yield
    }) : () -> ()
    %lt3A_19 = arith.constant 31 : i32
    %lt3A_20 = arith.cmpi slt, %add3A, %lt3A_19 : i32
    %convert_element_type3A_21 = arith.extui %lt3A_20 : i1 to i32
    %cond3A_22 = arith.constant 0 : i32
    %cond3A_23 = arith.cmpi ne, %convert_element_type3A_21, %cond3A_22 : i32
    scf.if %cond3A_23 {
      %add3A_24 = arith.constant 6064 : i32
      %add3A_25 = arith.addi %mul3A_2, %add3A_24 : i32
      "tpu.region"() ({
        %run_scoped3A = tpu.sem_alloc : memref<!tpu.dma_semaphore, #tpu.memory_space<semaphore_mem>>
        %dma_start3A = arith.constant 6064 : i32
        %dma_start3A_26 = tpu.memref_slice %arg7[%dma_start3A] : memref<6256xf32, #tpu.memory_space<vmem>> -> memref<192xf32, #tpu.memory_space<vmem>>
        %dma_start3A_27 = tpu.memref_slice %arg4[%add3A_25] : memref<200000xf32, #tpu.memory_space<hbm>> -> memref<192xf32, #tpu.memory_space<hbm>>
        %dma_start3A_28 = tpu.memref_slice %arg4[%add3A_25] : memref<200000xf32, #tpu.memory_space<hbm>> -> memref<192xf32, #tpu.memory_space<hbm>>
        %dma_start3A_29 = arith.constant 6064 : i32
        %dma_start3A_30 = tpu.memref_slice %arg7[%dma_start3A_29] : memref<6256xf32, #tpu.memory_space<vmem>> -> memref<192xf32, #tpu.memory_space<vmem>>
        tpu.enqueue_dma source(%dma_start3A_30 : memref<192xf32, #tpu.memory_space<vmem>>) target(%dma_start3A_28 : memref<192xf32, #tpu.memory_space<hbm>>) target_semaphore(%run_scoped3A : memref<!tpu.dma_semaphore, #tpu.memory_space<semaphore_mem>>)
        %dma_wait3A = arith.constant 6064 : i32
        %dma_wait3A_31 = tpu.memref_slice %arg7[%dma_wait3A] : memref<6256xf32, #tpu.memory_space<vmem>> -> memref<192xf32, #tpu.memory_space<vmem>>
        %dma_wait3A_32 = tpu.memref_slice %arg4[%add3A_25] : memref<200000xf32, #tpu.memory_space<hbm>> -> memref<192xf32, #tpu.memory_space<hbm>>
        %dma_wait3A_33 = tpu.memref_slice %arg4[%add3A_25] : memref<200000xf32, #tpu.memory_space<hbm>> -> memref<192xf32, #tpu.memory_space<hbm>>
        %dma_wait3A_34 = arith.constant 6064 : i32
        %dma_wait3A_35 = tpu.memref_slice %arg7[%dma_wait3A_34] : memref<6256xf32, #tpu.memory_space<vmem>> -> memref<192xf32, #tpu.memory_space<vmem>>
        tpu.wait_dma2 semaphore(%run_scoped3A : memref<!tpu.dma_semaphore, #tpu.memory_space<semaphore_mem>>) src(%dma_wait3A_35 : memref<192xf32, #tpu.memory_space<vmem>>) dst(%dma_wait3A_33 : memref<192xf32, #tpu.memory_space<hbm>>)
        tpu.yield
      }) : () -> ()
    } else {
    }
    return
  }
}

module attributes {stable_mosaic.version = 14 : i64} {
  func.func @_tc_mv_body(%arg0: memref<10000x128xf32, #tpu.memory_space<vmem>>, %arg1: memref<128x16xf32, #tpu.memory_space<vmem>>, %arg2: memref<16x8xf32, #tpu.memory_space<vmem>>, %arg3: memref<8x1xf32, #tpu.memory_space<vmem>>, %arg4: memref<10000x1xf32, #tpu.memory_space<vmem>>) attributes {dimension_semantics = [], scalar_prefetch = 0 : i64, scratch_operands = 0 : i64, tpu.core_type = #tpu.core_type<tc>} {
    %get3A = arith.constant 0 : index
    %get3A_0 = arith.constant 0 : index
    %get3A_1 = vector.load %arg1[%get3A, %get3A_0] : memref<128x16xf32, #tpu.memory_space<vmem>>, vector<128x16xf32>
    %get3A_2 = arith.constant 0 : index
    %get3A_3 = arith.constant 0 : index
    %get3A_4 = vector.load %arg2[%get3A_2, %get3A_3] : memref<16x8xf32, #tpu.memory_space<vmem>>, vector<16x8xf32>
    %get3A_5 = arith.constant 0 : index
    %get3A_6 = arith.constant 0 : index
    %get3A_7 = vector.load %arg3[%get3A_5, %get3A_6] : memref<8x1xf32, #tpu.memory_space<vmem>>, vector<8x1xf32>
    %dot_general3A = arith.constant dense<0.000000e+00> : vector<16x1xf32>
    %dot_general3A_8 = tpu.matmul %get3A_4, %get3A_7, %dot_general3A {dimension_numbers = #tpu.dot_dimension_numbers<[1], [0], [0], [1], [0, 0, 1, 1], [], []>, transpose_lhs_hint = false} : vector<16x8xf32>, vector<8x1xf32>, vector<16x1xf32> -> vector<16x1xf32>
    %dot_general3A_9 = arith.constant dense<0.000000e+00> : vector<128x1xf32>
    %dot_general3A_10 = tpu.matmul %get3A_1, %dot_general3A_8, %dot_general3A_9 {dimension_numbers = #tpu.dot_dimension_numbers<[1], [0], [0], [1], [0, 0, 1, 1], [], []>, transpose_lhs_hint = false} : vector<128x16xf32>, vector<16x1xf32>, vector<128x1xf32> -> vector<128x1xf32>
    %get3A_11 = arith.constant 0 : index
    %get3A_12 = arith.constant 0 : index
    %get3A_13 = vector.load %arg0[%get3A_11, %get3A_12] : memref<10000x128xf32, #tpu.memory_space<vmem>>, vector<10000x128xf32>
    %dot_general3A_14 = arith.constant dense<0.000000e+00> : vector<10000x1xf32>
    %dot_general3A_15 = tpu.matmul %get3A_13, %dot_general3A_10, %dot_general3A_14 {dimension_numbers = #tpu.dot_dimension_numbers<[1], [0], [0], [1], [0, 0, 1, 1], [], []>, transpose_lhs_hint = false} : vector<10000x128xf32>, vector<128x1xf32>, vector<10000x1xf32> -> vector<10000x1xf32>
    %swap3A = arith.constant 0 : index
    %swap3A_16 = arith.constant 0 : index
    %swap3A_17 = vector.load %arg4[%swap3A, %swap3A_16] : memref<10000x1xf32, #tpu.memory_space<vmem>>, vector<10000x1xf32>
    tpu.vector_store %arg4[%swap3A, %swap3A_16], %dot_general3A_15 {strides = array<i32>} : memref<10000x1xf32, #tpu.memory_space<vmem>>, vector<10000x1xf32>,
    return
  }
}

module attributes {stable_mosaic.version = 14 : i64} {
  func.func @_tc_prep_body(%arg0: memref<32x10000xf32, #tpu.memory_space<vmem>>, %arg1: memref<1x10000xf32, #tpu.memory_space<vmem>>, %arg2: memref<1x10000xf32, #tpu.memory_space<vmem>>, %arg3: memref<1x10000xf32, #tpu.memory_space<vmem>>) attributes {dimension_semantics = [], scalar_prefetch = 0 : i64, scratch_operands = 0 : i64, tpu.core_type = #tpu.core_type<tc>} {
    %get3A = arith.constant 0 : index
    %get3A_0 = arith.constant 0 : index
    %get3A_1 = vector.load %arg0[%get3A, %get3A_0] : memref<32x10000xf32, #tpu.memory_space<vmem>>, vector<32x10000xf32>
    %reduce_sum3A = arith.constant dense<0.000000e+00> : vector<10000xf32>
    %reduce_sum3A_2 = vector.multi_reduction <add>, %get3A_1, %reduce_sum3A [0] : vector<32x10000xf32> to vector<10000xf32>
    %broadcast_in_dim3A = vector.shape_cast %reduce_sum3A_2 : vector<10000xf32> to vector<1x10000xf32>
    %add3A = arith.constant 1.000000e+00 : f32
    %add3A_3 = vector.broadcast %add3A : f32 to vector<1x10000xf32>
    %add3A_4 = arith.addf %broadcast_in_dim3A, %add3A_3 : vector<1x10000xf32>
    %rsqrt3A = math.rsqrt %add3A_4 : vector<1x10000xf32>
    %swap3A = arith.constant 0 : index
    %swap3A_5 = arith.constant 0 : index
    %swap3A_6 = vector.load %arg3[%swap3A, %swap3A_5] : memref<1x10000xf32, #tpu.memory_space<vmem>>, vector<1x10000xf32>
    tpu.vector_store %arg3[%swap3A, %swap3A_5], %rsqrt3A {strides = array<i32>} : memref<1x10000xf32, #tpu.memory_space<vmem>>, vector<1x10000xf32>,
    %get3A_7 = arith.constant 0 : index
    %get3A_8 = arith.constant 0 : index
    %get3A_9 = vector.load %arg1[%get3A_7, %get3A_8] : memref<1x10000xf32, #tpu.memory_space<vmem>>, vector<1x10000xf32>
    %mul3A = arith.mulf %get3A_9, %rsqrt3A : vector<1x10000xf32>
    %swap3A_10 = arith.constant 0 : index
    %swap3A_11 = arith.constant 0 : index
    %swap3A_12 = vector.load %arg2[%swap3A_10, %swap3A_11] : memref<1x10000xf32, #tpu.memory_space<vmem>>, vector<1x10000xf32>
    tpu.vector_store %arg2[%swap3A_10, %swap3A_11], %mul3A {strides = array<i32>} : memref<1x10000xf32, #tpu.memory_space<vmem>>, vector<1x10000xf32>,
    return
  }
}

module attributes {stable_mosaic.version = 14 : i64} {
  func.func @_tc_layer_body(%arg0: memref<32x10000xf32, #tpu.memory_space<vmem>>, %arg1: memref<1x10000xf32, #tpu.memory_space<vmem>>, %arg2: memref<1x10000xf32, #tpu.memory_space<vmem>>, %arg3: memref<1x1xf32, #tpu.memory_space<vmem>>, %arg4: memref<1x10000xf32, #tpu.memory_space<vmem>>) attributes {dimension_semantics = [], scalar_prefetch = 0 : i64, scratch_operands = 0 : i64, tpu.core_type = #tpu.core_type<tc>} {
    %get3A = arith.constant 0 : index
    %get3A_0 = arith.constant 0 : index
    %get3A_1 = vector.load %arg0[%get3A, %get3A_0] : memref<32x10000xf32, #tpu.memory_space<vmem>>, vector<32x10000xf32>
    %reduce_sum3A = arith.constant dense<0.000000e+00> : vector<10000xf32>
    %reduce_sum3A_2 = vector.multi_reduction <add>, %get3A_1, %reduce_sum3A [0] : vector<32x10000xf32> to vector<10000xf32>
    %broadcast_in_dim3A = vector.shape_cast %reduce_sum3A_2 : vector<10000xf32> to vector<1x10000xf32>
    %get3A_3 = arith.constant 0 : index
    %get3A_4 = arith.constant 0 : index
    %get3A_5 = vector.load %arg2[%get3A_3, %get3A_4] : memref<1x10000xf32, #tpu.memory_space<vmem>>, vector<1x10000xf32>
    %get3A_6 = arith.constant 0 : index
    %get3A_7 = arith.constant 0 : index
    %get3A_8 = vector.load %arg1[%get3A_6, %get3A_7] : memref<1x10000xf32, #tpu.memory_space<vmem>>, vector<1x10000xf32>
    %add3A = arith.addf %broadcast_in_dim3A, %get3A_8 : vector<1x10000xf32>
    %mul3A = arith.mulf %get3A_5, %add3A : vector<1x10000xf32>
    %get3A_9 = arith.constant 0 : index
    %get3A_10 = arith.constant 0 : index
    %get3A_11 = vector.load %arg3[%get3A_9, %get3A_10] : memref<1x1xf32, #tpu.memory_space<vmem>>, vector<1x1xf32>
    %add3A_12 = vector.broadcast %get3A_11 : vector<1x1xf32> to vector<1x10000xf32>
    %add3A_13 = arith.addf %mul3A, %add3A_12 : vector<1x10000xf32>
    %mul3A_14 = arith.mulf %add3A_13, %get3A_5 : vector<1x10000xf32>
    %swap3A = arith.constant 0 : index
    %swap3A_15 = arith.constant 0 : index
    %swap3A_16 = vector.load %arg4[%swap3A, %swap3A_15] : memref<1x10000xf32, #tpu.memory_space<vmem>>, vector<1x10000xf32>
    tpu.vector_store %arg4[%swap3A, %swap3A_15], %mul3A_14 {strides = array<i32>} : memref<1x10000xf32, #tpu.memory_space<vmem>>, vector<1x10000xf32>,
    return
  }
}

module attributes {stable_mosaic.version = 14 : i64} {
  func.func @_tc_layer_body(%arg0: memref<32x10000xf32, #tpu.memory_space<vmem>>, %arg1: memref<1x10000xf32, #tpu.memory_space<vmem>>, %arg2: memref<1x10000xf32, #tpu.memory_space<vmem>>, %arg3: memref<1x1xf32, #tpu.memory_space<vmem>>, %arg4: memref<1x10000xf32, #tpu.memory_space<vmem>>) attributes {dimension_semantics = [], scalar_prefetch = 0 : i64, scratch_operands = 0 : i64, tpu.core_type = #tpu.core_type<tc>} {
    %get3A = arith.constant 0 : index
    %get3A_0 = arith.constant 0 : index
    %get3A_1 = vector.load %arg0[%get3A, %get3A_0] : memref<32x10000xf32, #tpu.memory_space<vmem>>, vector<32x10000xf32>
    %reduce_sum3A = arith.constant dense<0.000000e+00> : vector<10000xf32>
    %reduce_sum3A_2 = vector.multi_reduction <add>, %get3A_1, %reduce_sum3A [0] : vector<32x10000xf32> to vector<10000xf32>
    %broadcast_in_dim3A = vector.shape_cast %reduce_sum3A_2 : vector<10000xf32> to vector<1x10000xf32>
    %get3A_3 = arith.constant 0 : index
    %get3A_4 = arith.constant 0 : index
    %get3A_5 = vector.load %arg2[%get3A_3, %get3A_4] : memref<1x10000xf32, #tpu.memory_space<vmem>>, vector<1x10000xf32>
    %get3A_6 = arith.constant 0 : index
    %get3A_7 = arith.constant 0 : index
    %get3A_8 = vector.load %arg1[%get3A_6, %get3A_7] : memref<1x10000xf32, #tpu.memory_space<vmem>>, vector<1x10000xf32>
    %add3A = arith.addf %broadcast_in_dim3A, %get3A_8 : vector<1x10000xf32>
    %mul3A = arith.mulf %get3A_5, %add3A : vector<1x10000xf32>
    %get3A_9 = arith.constant 0 : index
    %get3A_10 = arith.constant 0 : index
    %get3A_11 = vector.load %arg3[%get3A_9, %get3A_10] : memref<1x1xf32, #tpu.memory_space<vmem>>, vector<1x1xf32>
    %add3A_12 = vector.broadcast %get3A_11 : vector<1x1xf32> to vector<1x10000xf32>
    %add3A_13 = arith.addf %mul3A, %add3A_12 : vector<1x10000xf32>
    %neg3A = arith.constant 0.000000e+00 : f32
    %neg3A_14 = vector.broadcast %neg3A : f32 to vector<1x10000xf32>
    %neg3A_15 = arith.subf %neg3A_14, %add3A_13 : vector<1x10000xf32>
    %exp3A = math.exp %neg3A_15 : vector<1x10000xf32>
    %add3A_16 = arith.constant 1.000000e+00 : f32
    %add3A_17 = vector.broadcast %add3A_16 : f32 to vector<1x10000xf32>
    %add3A_18 = arith.addf %add3A_17, %exp3A : vector<1x10000xf32>
    %div3A = arith.constant 1.000000e+00 : f32
    %div3A_19 = vector.broadcast %div3A : f32 to vector<1x10000xf32>
    %div3A_20 = arith.divf %div3A_19, %add3A_18 : vector<1x10000xf32>
    %swap3A = arith.constant 0 : index
    %swap3A_21 = arith.constant 0 : index
    %swap3A_22 = vector.load %arg4[%swap3A, %swap3A_21] : memref<1x10000xf32, #tpu.memory_space<vmem>>, vector<1x10000xf32>
    tpu.vector_store %arg4[%swap3A, %swap3A_21], %div3A_20 {strides = array<i32>} : memref<1x10000xf32, #tpu.memory_space<vmem>>, vector<1x10000xf32>,
    return
  }
}

</mosaic_0001>

<sc_bundles>
// kernel: kernel.10.cloned.1.call-start
scs
__scs_entry_jumppad:
0x0: {  	(pc) =	sbr.rel $0x88, $3  }
0x1: {  	(tag) =	ssettag $0x0;
	lr =	simm.s32 $0x1  }
0x2: {  	[smem:$0x3F98] =	sst lr;
	_ =	strace $0xD0000000  }
0x3: {  	_ = 	snop  }
0x4: {  	_ = 	snop  }
0x5: {  	_ = 	snop  }
0x6: {  	_ = 	snop  }
0x7: {  	_ = 	snop  }
__scs_overlays_trampoline_lowered:
0x8: {  	[smem:$0x3FA7] =	sst s0  }
0x9: {  	[smem:$0x3FA8] =	sst s1  }
0xa: {  	[smem:$0x3FA9] =	sst s2  }
0xb: {  	[smem:$0x3FAA] =	sst s3  }
0xc: {  	[smem:$0x3FAB] =	sst s4  }
0xd: {  	[smem:$0x3FAC] =	sst s5  }
0xe: {  	[smem:$0x3FAD] =	sst s6  }
0xf: {  	[smem:$0x3FAE] =	sst s7  }
0x10: {  	[smem:$0x3FAF] =	sst s8  }
0x11: {  	[smem:$0x3FB0] =	sst s9;
	s0 =	simm.s32 @!p0 $0x0  }
0x12: {  	s1 =	sld [smem:$0x3F96];
	s0 =	simm.s32 @p0 $0x1  }
0x13: {  	[smem:$0x3FB1] =	sst s0;
	s0 =	simm.s32 @!p1 $0x0  }
0x14: {  	s2 =	sld [smem:$0x3F95];
	s0 =	simm.s32 @p1 $0x1  }
0x15: {  	[smem:$0x3FB2] =	sst s0;
	s0 =	simm.s32 @!p2 $0x0  }
0x16: {  	s3 =	sld [smem:$0x3FDB];
	s0 =	simm.s32 @p2 $0x1  }
0x17: {  	s4 =	simm.s32 $0x1BF5;
	[smem:$0x3FB4] =	sst s0  }
0x18: {  	s0 =	sld [smem:$0x3F97];
	_ =	swait.ge [sflag:s4], $0x0  }
0x19: {  	s7 =	sld [smem:$0x3F98]  }
0x1a: {  	s8 =	sadd.s32 $0xFFFFE003, lr  }
0x1b: {  	s9 =	sadd.s32 $0xFFFFFEF7, lr;
	s5 =	simm.s32 $0xFFFFFFFF;
	p2 =	slt.u32 s8, $0xFFFFF086  }
0x1c: {  	p1 =	slt.u32 s9, $0xF7A;
	s5 =	simm.s32 @!p2 $0x0  }
0x1d: {  	s5 =	simm.s32 @p1 $0x1;
	p0 =	seq.s32 s7, s2  }
0x1e: {  	s7 =	smul.u32 @!p0 $0xF7A, s2;
	p2 =	seq.s32 @!p0 s5, $0x0  }
0x1f: {  	s9 =	smul.u32 $0xF7A, s1;
	s8 =	simm.s32 @!p0 $0x1BF5;
	p2 =	por !p2, p0  }
0x20: {  	[sflag:s8] =	ssyncset.s32 @!p0 $0xFFFFF086;
	s6 =	sadd.s32 @!p0 s3, s7;
	s7 =	simm.s32 @!p0 $0x108  }
0x21: {  	s3 =	sadd.s32 s3, s9;
	s6 =	sadd.s32 @!p0 $0x88, s6;
	s7 =	simm.s32 @p2 $0x1082  }
0x22: {  	[simem:s7], [sflag:s8] =	dma.local @!p0 [hbm:s6], $0xF7A  }
0x23: {  	s9 =	sor.u32 $0xD0000000, s2;
	s6 =	simm.s32 $0x108;
	_ =	swait.ge @!p0 [sflag:s8], $0x0  }
0x24: {  	s3 =	sadd.s32 $0x88, s3;
	s6 =	simm.s32 @!p1 $0x1082;
	[sflag:s4] =	ssyncset.s32 $0xFFFFF086  }
0x25: {  	[simem:s6], [sflag:s4] =	dma.local [hbm:s3], $0xF7A  }
0x26: {  	[smem:$0x3F98] =	sst s1;
	(tag) =	ssettag s2;
	_ =	strace s9  }
0x27: {  	s1 =	sld [smem:$0x3FA8]  }
0x28: {  	s2 =	sld [smem:$0x3FA9]  }
0x29: {  	s4 =	sld [smem:$0x3FAB]  }
0x2a: {  	p0 =	seq.s32 s5, $0x0;
	s5 =	sld [smem:$0x3FAC]  }
0x2b: {  	s6 =	sld [smem:$0x3FAD]  }
0x2c: {  	s7 =	sld [smem:$0x3FAE]  }
0x2d: {  	s3 =	simm.s32 $0x108;
	s8 =	sld [smem:$0x3FAF]  }
0x2e: {  	s3 =	simm.s32 @!p0 $0x1082;
	s9 =	sld [smem:$0x3FB0]  }
0x2f: {  	lr =	sadd.s32 s0, s3;
	s0 =	sld [smem:$0x3FA7]  }
0x30: {  	s3 =	sld [smem:$0x3FAA]  }
0x31: {  	[smem:$0x3FB3] =	sst s10  }
0x32: {  	s10 =	sld [smem:$0x3FB1];
	_ =	sdelay $0x3  }
0x33: {  	p0 =	seq.s32 s10, $0x1;
	s10 =	sld [smem:$0x3FB3];
	_ =	sdelay $0x3  }
0x34: {  	[smem:$0x3FB3] =	sst s10  }
0x35: {  	s10 =	sld [smem:$0x3FB2];
	_ =	sdelay $0x3  }
0x36: {  	p1 =	seq.s32 s10, $0x1;
	s10 =	sld [smem:$0x3FB3];
	_ =	sdelay $0x3  }
0x37: {  	[smem:$0x3FB3] =	sst s10  }
0x38: {  	s10 =	sld [smem:$0x3FB4]  }
0x39: {  	_ = 	snop;
	(pc) =	sbr.ind lr, $3  }
0x3a: {  	_ = 	snop  }
0x3b: {  	_ = 	snop  }
0x3c: {  	p2 =	seq.s32 s10, $0x1;
	s10 =	sld [smem:$0x3FB3]  }
0x3d: {  	_ =	shalt  }
0x3e: {  	_ =	shalt  }
0x3f: {  	_ =	shalt  }
0x40: {  	_ =	shalt  }
0x41: {  	_ =	shalt  }
0x42: {  	_ =	shalt  }
0x43: {  	_ =	shalt  }
0x44: {  	_ =	shalt  }
0x45: {  	_ =	shalt  }
0x46: {  	_ =	shalt  }
0x47: {  	_ =	shalt  }
0x48: {  	_ =	shalt  }
0x49: {  	_ =	shalt  }
0x4a: {  	_ =	shalt  }
0x4b: {  	_ =	shalt  }
0x4c: {  	_ =	shalt  }
0x4d: {  	_ =	shalt  }
0x4e: {  	_ =	shalt  }
0x4f: {  	_ =	shalt  }
0x50: {  	_ =	shalt  }
0x51: {  	_ =	shalt  }
0x52: {  	_ =	shalt  }
0x53: {  	_ =	shalt  }
0x54: {  	_ =	shalt  }
0x55: {  	_ =	shalt  }
0x56: {  	_ =	shalt  }
0x57: {  	_ =	shalt  }
0x58: {  	_ =	shalt  }
0x59: {  	_ =	shalt  }
0x5a: {  	_ =	shalt  }
0x5b: {  	_ =	shalt  }
0x5c: {  	_ =	shalt  }
0x5d: {  	_ =	shalt  }
0x5e: {  	_ =	shalt  }
0x5f: {  	_ =	shalt  }
0x60: {  	_ =	shalt  }
0x61: {  	_ =	shalt  }
0x62: {  	_ =	shalt  }
0x63: {  	_ =	shalt  }
0x64: {  	_ =	shalt  }
0x65: {  	_ =	shalt  }
0x66: {  	_ =	shalt  }
0x67: {  	_ =	shalt  }
0x68: {  	_ =	shalt  }
0x69: {  	_ =	shalt  }
0x6a: {  	_ =	shalt  }
0x6b: {  	_ =	shalt  }
0x6c: {  	_ =	shalt  }
0x6d: {  	_ =	shalt  }
0x6e: {  	_ =	shalt  }
0x6f: {  	_ =	shalt  }
0x70: {  	_ =	shalt  }
0x71: {  	_ =	shalt  }
0x72: {  	_ =	shalt  }
0x73: {  	_ =	shalt  }
0x74: {  	_ =	shalt  }
0x75: {  	_ =	shalt  }
0x76: {  	_ =	shalt  }
0x77: {  	_ =	shalt  }
0x78: {  	_ =	shalt  }
0x79: {  	_ =	shalt  }
0x7a: {  	_ =	shalt  }
0x7b: {  	_ =	shalt  }
0x7c: {  	_ =	shalt  }
0x7d: {  	_ =	shalt  }
0x7e: {  	_ =	shalt  }
0x7f: {  	_ =	shalt  }
0x80: {  	_ =	shalt  }
0x81: {  	_ =	shalt  }
0x82: {  	_ =	shalt  }
0x83: {  	_ =	shalt  }
0x84: {  	_ =	shalt  }
0x85: {  	_ =	shalt  }
0x86: {  	_ =	shalt  }
0x87: {  	_ =	shalt  }
.Lfunc_end0:
.L_simem_size_0:
called_computation_lowered:
.L_overlay_start_0:
0x88: {  	s2 =	sld [smem:$0x3FD9]  }
0x89: {  	s3 =	sld [smem:$0x3FFE];
	_ =	sdelay $0x1  }
0x8a: {  	s1 =	srdreg.scid  }
0x8b: {  	s0 =	sand.u32 $0x1, s1  }
0x8c: {  	s17 =	sshll.u32 s0, $0xA;
	s2 =	sadd.s32 s3, s2  }
0x8d: {  	s2 =	sadd.s32 s2, s17  }
0x8e: {  	[smem:$0x3FBF] =	sst s2  }
0x8f: {  	_ = 	snop  }
0x90: {  	s2 =	sld [smem:$0x3FC8];
	(tm) =	ssettm $0x1  }
0x91: {  	s18 =	sld [smem:$0x3FFB];
	_ =	sdelay $0x3  }
0x92: {  	_ =	strace s18  }
0x93: {  	s3 =	sld [smem:$0x3FFC];
	_ =	sdelay $0x3  }
0x94: {  	_ =	strace s3  }
0x95: {  	s3 =	sld [smem:$0x3FFD];
	_ =	sdelay $0x3  }
0x96: {  	_ =	strace s3  }
0x97: {  	_ =	strace $0x8FFFFFFF  }
0x98: {  	s19 =	sld [smem:$0x3FDB];
	_ =	sdelay $0x1  }
0x99: {  	s4 =	simm.s32 $_scs_section_size  }
0x9a: {  	s5 =	simm.s32 $_size__tile_overlayer_lowered;
	s6 =	simm.s32 $_tile_overlayer_lowered  }
0x9b: {  	s22 =	simm.s32 $0x1BFF;
	s21 =	sshll.u32 s6, $0x1;
	s3 =	sadd.s32 s4, s19  }
0x9c: {  	s7 =	simm.s32 $0x0;
	s20 =	sshll.u32 s5, $0x1;
	s5 =	sadd.s32 s21, s3  }
0x9d: {  	[timem:s7], [sflag:s22] =	dma.local [hbm:s5], s20  }
0x9e: {  	_ =	swait.ge [sflag:s22], s20  }
0x9f: {  	s4 =	ssub.s32 $0x0, s20;
	[sflag:s22] =	ssyncset.done $0x0  }
0xa0: {  	[sflag:s22] =	ssyncadd.s32 s4;
	_ =	sdelay $0x1  }
0xa1: {  	s23 =	simm.s32 $0x1B8B  }
0xa2: {  	_ =	swait.ge [sflag:s23], $0x1  }
0xa3: {  	[sflag:s23] =	ssyncset.done $0x0  }
0xa4: {  	s25 =	simm.s32 $0x1B8E;
	s24 =	sld [smem:$0x3FFE];
	[sflag:s23] =	ssyncadd.s32 $0xFFFFFFFF  }
0xa5: {  	s26 =	simm.s32 $execute0_lowered;
	[smem:$0x3FD2] =	sst s25  }
0xa6: {  	s5 =	sshll.u32 s26, $0x1;
	_ =	strace $0x80000046;
	[dreg:$0x1] =	wrdreg $0xFFFFFFFF  }
0xa7: {  	s28 =	simm.s32 $_size_execute0_lowered;
	s3 =	sadd.s32 s3, s5;
	[dreg:$0x0] =	wrdreg $0x0  }
0xa8: {  	s5 =	sshll.u32 s28, $0x1;
	[dreg:$0x2] =	wrdreg s3  }
0xa9: {  	[dreg:$0x3] =	wrdreg s5  }
0xaa: {  	[dreg:$0x4] =	wrdreg $0xC0  }
0xab: {  	_ =	task [dreg:s7], $0x5FFFF  }
0xac: {  	[dreg:$0x1] =	wrdreg $0xFFFFFFFF  }
0xad: {  	[dreg:$0x0] =	wrdreg $0x60  }
0xae: {  	[dreg:$0x2] =	wrdreg s2  }
0xaf: {  	[dreg:$0x3] =	wrdreg s24  }
0xb0: {  	[dreg:$0x4] =	wrdreg $0x9  }
0xb1: {  	_ =	task.clear_ibuf [dreg:s7], $0x5FFFF;
	_ =	strace $0x90000046  }
0xb2: {  	s29 =	simm.s32 $0x9;
	_ =	strace $0x80000048  }
0xb3: {  	_ =	swait.ge [sflag:s29], $0x1  }
0xb4: {  	[sflag:s29] =	ssyncadd.s32 $0xFFFFFFFF  }
0xb5: {  	_ =	strace $0x90000048  }
0xb6: {  	_ =	sfence  }
0xb7: {  	s30 =	sld [smem:$0x0];
	_ =	sdelay $0x2  }
0xb8: {  	s31 =	sshll.u32 s1, $0xD;
	s1 =	sshrl.u32 s1, $0x2  }
0xb9: {  	s3 =	sand.u32 $0x4000, s31;
	s1 =	sadd.s32 s1, s30  }
0xba: {  	s0 =	sor.u32 s3, s0;
	s1 =	sshll.u32 s1, $0x11  }
0xbb: {  	s0 =	sor.u32 s1, s0  }
0xbc: {  	s0 =	sadd.s32 $0x8F2B, s0  }
0xbd: {  	[sflag:s0] =	ssyncadd.remote.s32 $0x1  }
0xbe: {  	_ =	sfence.sel $0xFFFF  }
0xbf: {  	[dreg:$0x0] =	wrdreg $0xFFFFFFFF;
	(pc) =	sbr.abs _section_cstart, $3  }
0xc0: {  	[dreg:$0x1] =	wrdreg $0xFFFFFFFF  }
0xc1: {  	_ =	task.clear_ibuf [dreg:s7], $0x2FFFF;
	_ =	strace $0x9FFFFFFF  }
0xc2: {  	(tm) =	ssettm $0x7FFFFFFF  }
0xc3: {  	_ =	shalt  }
tec
execute0_lowered:
.L_overlay_start_1:
0x0: {  	(tag) =	ssettag $0x1  }
0x1: {  	s1 =	srdreg.scid  }
0x2: {  	s0 =	stileid.u32;
	s4 =	rddreg [dreg:$0x0]  }
0x3: {  	s5 =	rddreg [dreg:$0x1];
	s10 =	simm.s32 $0x80;
	s11 =	simm.s32 $0x400  }
0x4: {  	s12 =	simm.s32 $0x0;
	s28 =	sshrl.u32 s0, $0x2;
	s29 =	smul.u32 $0x4E20, s0  }
0x5: {  	s3 =	sand.u32 $0x1, s1;
	s26 =	sshll.u32 s0, $0x1;
	s6 =	smul.u32 $0x13C00, s28  }
0x6: {  	s1 =	rddreg [dreg:$0x2];
	s2 =	sor.u32 s3, s26;
	s9 =	smul.u32 $0x2710, s3  }
0x7: {  	s7 =	sshll.u32 s2, $0x7;
	s8 =	smul.u32 $0x2710, s2;
	s2 =	simm.s32 $0x0  }
0x8: {  	s3 =	ssub.s32 $0x2, s3;
	s7 =	sand.u32 $0x380, s7;
	[smem:$0x7FF] =	sst s2  }
0x9: {  	s31 =	sshrl.u32 s3, $0x1;
	s6 =	sor.u32 s6, s7;
	_ =	strace $0x80000047  }
0xa: {  	s30 =	sshrl.u32 s8, $0x2;
	s7 =	sadd.s32 s9, s29;
	s8 =	ssub.s32 s3, s31  }
0xb: {  	s9 =	simm.s32 $0x4F00;
	s6 =	sshrl.u32 s6, $0x3;
	s7 =	sshrl.u32 s7, $0x4  }
0xc: {  	s5 =	sadd.s32 s6, s5;
	s6 =	sand.u32 $0x1FFE0, s30;
	s7 =	sand.u32 $0x7, s7  }
0xd: {  	s3 =	sadd.s32 s4, s6;
	s4 =	sadd.s32 $0xA00, s5;
	s5 =	smax.u32 s8, $0x1  }
0xe: {  	v0 =	vimm.f32 $0.0e+00;
	v1 =	vimm.f32 $1.000000000e+00;
	s6 =	sshll.u32 s7, $0x5;
	s7 =	sshll.u32 s7, $0x4;
	s8 =	simm.s32 $0x1  }
.LBB2_1:
0xf: {  	[tilespmem:s2], [sflag:$0x1] =	stream.linear.gather [hbm4b:s3+s2], $0x4F00, $0x38;
	[tilespmem:$0x7680] =	vst v63  }
0x10: {  	_ =	swait.ge [sflag:s8], $0x4F00  }
0x11: {  	[sflag:s8] =	ssyncset.done $0x0  }
0x12: {  	s13 =	simm.s32 $0x0;
	[sflag:s8] =	ssyncadd.s32 $0xFFFFB100  }
.LBB2_2:
0x13: {  	p0 =	sne.s32 s13, $0x9C00  }
.Ltmp0:
0x14: {  	_ = 	snop;
	(pc) =	sbr.rel @p0 .LBB2_2-.Ltmp0, $3  }
0x15: {  	_ =	sdelay $0x1  }
0x16: {  	s14 =	sshra.s32 s13, $0x2  }
0x17: {  	s13 =	sadd.s32 $0x40, s13;
	[tilespmem:s14+$0x4F00] =	vst v0  }
0x18: {  	s13 =	sadd.s32 $0x0, s7  }
0x19: {  	s14 =	sand.u32 $0xFF00, s6;
	s13 =	sand.u32 $0x70, s13  }
0x1a: {  	s13 =	sor.u32 s13, s14  }
0x1b: {  	v2 =	vld [tilespmem:s13+$0x80];
	_ =	sdelay $0x5  }
0x1c: {  	s15 =	sadd.s32 $0x10, s7;
	s14 =	simm.s32 $0x20;
	s13 =	sadd.s32 $0x20, s6  }
.LBB2_4:
0x1d: {  	p0 =	sne.s32 s14, $0x2700;
	s15 =	sand.u32 $0x70, s15;
	s16 =	sand.u32 $0xFF00, s13  }
0x1e: {  	s15 =	sor.u32 s15, s16;
	[tilespmem:v2+s9+$0x0] =	vst.idx.add.f32.msk $0xffff, v1  }
0x1f: {  	v2 =	vld [tilespmem:s15+$0x80];
	_ =	sdelay $0x1  }
.Ltmp1:
0x20: {  	(pc) =	sbr.rel @p0 .LBB2_4-.Ltmp1, $2  }
0x21: {  	_ =	sdelay $0x2  }
0x22: {  	s13 =	sadd.s32 $0x20, s13;
	s15 =	sadd.s32 s14, s7;
	s14 =	sadd.s32 $0x10, s14  }
0x23: {  	_ =	sdelay $0x2  }
0x24: {  	s14 =	sand.u32 $0x70, s15;
	s13 =	sand.u32 $0xFF00, s13  }
0x25: {  	[tilespmem:v2+s9+$0x0] =	vst.idx.add.f32.msk $0xffff, v1;
	s13 =	sor.u32 s14, s13  }
0x26: {  	v2 =	vld [tilespmem:s13+$0x80];
	_ =	sdelay $0x5  }
0x27: {  	s12 =	sadd.s32 $0x1, s12  }
0x28: {  	p0 =	sne.s32 s12, s5  }
.Ltmp2:
0x29: {  	[tilespmem:v2+s9+$0x0] =	vst.idx.add.f32.msk $0xffff, v1;
	(pc) =	sbr.rel @p0 .LBB2_1-.Ltmp2, $4  }
0x2a: {  	[hbm4b:s4+s10] =	stream.strided.scatter [tilespmem:s9], [sflag:$0x1], $0x2780, s11, s10, $0x38;
	[tilespmem:$0x7680] =	vst v63  }
0x2b: {  	_ =	swait.ge [sflag:s8], $0x2780  }
0x2c: {  	[sflag:s8] =	ssyncset.done $0x0  }
0x2d: {  	[sflag:s8] =	ssyncadd.s32 $0xFFFFD880  }
0x2e: {  	_ =	sfence.sel $0x180000  }
0x2f: {  	[bflag:$0x0] =	sbarrier.arrive $0xFFFF  }
0x30: {  	p0 =	sne.s32 s0, $0x0;
	_ =	strace $0x90000047  }
0x31: {  	s0 =	sadd.s32 @!p0 $0x100000, s1;
	[bflag:$0x2] =	sbarrier.arrive $0xFFFF  }
0x32: {  	[sflag:s0] =	ssyncadd.tile.s32 @!p0 $0x1;
	_ =	shalt  }
.Lfunc_end2:
_tile_overlayer_lowered:
.L_overlay_start_2:
0x33: {  	(tag) =	ssettag $0x2  }
0x34: {  	s0 =	rddreg [dreg:$0x0];
	s2 =	stileid.u32  }
0x35: {  	s1 =	rddreg [dreg:$0x1];
	p0 =	sne.s32 s2, $0x0  }
0x36: {  	s3 =	rddreg [dreg:$0x2];
	[bflag:$0x3] =	sbarrier.arrive $0xFFFF;
	s2 =	simm.s32 @!p0 $0x1C01  }
0x37: {  	[timem:s3], [sflag:s2] =	dma.local @!p0 [hbm:s0], s1  }
0x38: {  	s0 =	simm.s32 @!p0 $0x1  }
0x39: {  	_ =	swait.ge @!p0 [sflag:s0], s1  }
0x3a: {  	s1 =	ssub.s32 @!p0 $0x0, s1;
	[sflag:s0] =	ssyncset.done @!p0 $0x0  }
0x3b: {  	[sflag:s0] =	ssyncadd.s32 @!p0 s1  }
0x3c: {  	[bflag:$0x3] =	sbarrier.arrive $0xFFFF  }
0x3d: {  	_ =	shalt  }

// kernel: kernel.13.cloned.1.call-start
scs
__scs_entry_jumppad:
0x0: {  	(pc) =	sbr.rel $0x88, $3  }
0x1: {  	(tag) =	ssettag $0x0;
	lr =	simm.s32 $0x1  }
0x2: {  	[smem:$0x3F98] =	sst lr;
	_ =	strace $0xD0000000  }
0x3: {  	_ = 	snop  }
0x4: {  	_ = 	snop  }
0x5: {  	_ = 	snop  }
0x6: {  	_ = 	snop  }
0x7: {  	_ = 	snop  }
__scs_overlays_trampoline_lowered:
0x8: {  	[smem:$0x3FA7] =	sst s0  }
0x9: {  	[smem:$0x3FA8] =	sst s1  }
0xa: {  	[smem:$0x3FA9] =	sst s2  }
0xb: {  	[smem:$0x3FAA] =	sst s3  }
0xc: {  	[smem:$0x3FAB] =	sst s4  }
0xd: {  	[smem:$0x3FAC] =	sst s5  }
0xe: {  	[smem:$0x3FAD] =	sst s6  }
0xf: {  	[smem:$0x3FAE] =	sst s7  }
0x10: {  	[smem:$0x3FAF] =	sst s8  }
0x11: {  	[smem:$0x3FB0] =	sst s9;
	s0 =	simm.s32 @!p0 $0x0  }
0x12: {  	s1 =	sld [smem:$0x3F96];
	s0 =	simm.s32 @p0 $0x1  }
0x13: {  	[smem:$0x3FB1] =	sst s0;
	s0 =	simm.s32 @!p1 $0x0  }
0x14: {  	s2 =	sld [smem:$0x3F95];
	s0 =	simm.s32 @p1 $0x1  }
0x15: {  	[smem:$0x3FB2] =	sst s0;
	s0 =	simm.s32 @!p2 $0x0  }
0x16: {  	s3 =	sld [smem:$0x3FDB];
	s0 =	simm.s32 @p2 $0x1  }
0x17: {  	s4 =	simm.s32 $0x1BF5;
	[smem:$0x3FB4] =	sst s0  }
0x18: {  	s0 =	sld [smem:$0x3F97];
	_ =	swait.ge [sflag:s4], $0x0  }
0x19: {  	s7 =	sld [smem:$0x3F98]  }
0x1a: {  	s8 =	sadd.s32 $0xFFFFE003, lr  }
0x1b: {  	s9 =	sadd.s32 $0xFFFFFEF7, lr;
	s5 =	simm.s32 $0xFFFFFFFF;
	p2 =	slt.u32 s8, $0xFFFFF086  }
0x1c: {  	p1 =	slt.u32 s9, $0xF7A;
	s5 =	simm.s32 @!p2 $0x0  }
0x1d: {  	s5 =	simm.s32 @p1 $0x1;
	p0 =	seq.s32 s7, s2  }
0x1e: {  	s7 =	smul.u32 @!p0 $0xF7A, s2;
	p2 =	seq.s32 @!p0 s5, $0x0  }
0x1f: {  	s9 =	smul.u32 $0xF7A, s1;
	s8 =	simm.s32 @!p0 $0x1BF5;
	p2 =	por !p2, p0  }
0x20: {  	[sflag:s8] =	ssyncset.s32 @!p0 $0xFFFFF086;
	s6 =	sadd.s32 @!p0 s3, s7;
	s7 =	simm.s32 @!p0 $0x108  }
0x21: {  	s3 =	sadd.s32 s3, s9;
	s6 =	sadd.s32 @!p0 $0x88, s6;
	s7 =	simm.s32 @p2 $0x1082  }
0x22: {  	[simem:s7], [sflag:s8] =	dma.local @!p0 [hbm:s6], $0xF7A  }
0x23: {  	s9 =	sor.u32 $0xD0000000, s2;
	s6 =	simm.s32 $0x108;
	_ =	swait.ge @!p0 [sflag:s8], $0x0  }
0x24: {  	s3 =	sadd.s32 $0x88, s3;
	s6 =	simm.s32 @!p1 $0x1082;
	[sflag:s4] =	ssyncset.s32 $0xFFFFF086  }
0x25: {  	[simem:s6], [sflag:s4] =	dma.local [hbm:s3], $0xF7A  }
0x26: {  	[smem:$0x3F98] =	sst s1;
	(tag) =	ssettag s2;
	_ =	strace s9  }
0x27: {  	s1 =	sld [smem:$0x3FA8]  }
0x28: {  	s2 =	sld [smem:$0x3FA9]  }
0x29: {  	s4 =	sld [smem:$0x3FAB]  }
0x2a: {  	p0 =	seq.s32 s5, $0x0;
	s5 =	sld [smem:$0x3FAC]  }
0x2b: {  	s6 =	sld [smem:$0x3FAD]  }
0x2c: {  	s7 =	sld [smem:$0x3FAE]  }
0x2d: {  	s3 =	simm.s32 $0x108;
	s8 =	sld [smem:$0x3FAF]  }
0x2e: {  	s3 =	simm.s32 @!p0 $0x1082;
	s9 =	sld [smem:$0x3FB0]  }
0x2f: {  	lr =	sadd.s32 s0, s3;
	s0 =	sld [smem:$0x3FA7]  }
0x30: {  	s3 =	sld [smem:$0x3FAA]  }
0x31: {  	[smem:$0x3FB3] =	sst s10  }
0x32: {  	s10 =	sld [smem:$0x3FB1];
	_ =	sdelay $0x3  }
0x33: {  	p0 =	seq.s32 s10, $0x1;
	s10 =	sld [smem:$0x3FB3];
	_ =	sdelay $0x3  }
0x34: {  	[smem:$0x3FB3] =	sst s10  }
0x35: {  	s10 =	sld [smem:$0x3FB2];
	_ =	sdelay $0x3  }
0x36: {  	p1 =	seq.s32 s10, $0x1;
	s10 =	sld [smem:$0x3FB3];
	_ =	sdelay $0x3  }
0x37: {  	[smem:$0x3FB3] =	sst s10  }
0x38: {  	s10 =	sld [smem:$0x3FB4]  }
0x39: {  	_ = 	snop;
	(pc) =	sbr.ind lr, $3  }
0x3a: {  	_ = 	snop  }
0x3b: {  	_ = 	snop  }
0x3c: {  	p2 =	seq.s32 s10, $0x1;
	s10 =	sld [smem:$0x3FB3]  }
0x3d: {  	_ =	shalt  }
0x3e: {  	_ =	shalt  }
0x3f: {  	_ =	shalt  }
0x40: {  	_ =	shalt  }
0x41: {  	_ =	shalt  }
0x42: {  	_ =	shalt  }
0x43: {  	_ =	shalt  }
0x44: {  	_ =	shalt  }
0x45: {  	_ =	shalt  }
0x46: {  	_ =	shalt  }
0x47: {  	_ =	shalt  }
0x48: {  	_ =	shalt  }
0x49: {  	_ =	shalt  }
0x4a: {  	_ =	shalt  }
0x4b: {  	_ =	shalt  }
0x4c: {  	_ =	shalt  }
0x4d: {  	_ =	shalt  }
0x4e: {  	_ =	shalt  }
0x4f: {  	_ =	shalt  }
0x50: {  	_ =	shalt  }
0x51: {  	_ =	shalt  }
0x52: {  	_ =	shalt  }
0x53: {  	_ =	shalt  }
0x54: {  	_ =	shalt  }
0x55: {  	_ =	shalt  }
0x56: {  	_ =	shalt  }
0x57: {  	_ =	shalt  }
0x58: {  	_ =	shalt  }
0x59: {  	_ =	shalt  }
0x5a: {  	_ =	shalt  }
0x5b: {  	_ =	shalt  }
0x5c: {  	_ =	shalt  }
0x5d: {  	_ =	shalt  }
0x5e: {  	_ =	shalt  }
0x5f: {  	_ =	shalt  }
0x60: {  	_ =	shalt  }
0x61: {  	_ =	shalt  }
0x62: {  	_ =	shalt  }
0x63: {  	_ =	shalt  }
0x64: {  	_ =	shalt  }
0x65: {  	_ =	shalt  }
0x66: {  	_ =	shalt  }
0x67: {  	_ =	shalt  }
0x68: {  	_ =	shalt  }
0x69: {  	_ =	shalt  }
0x6a: {  	_ =	shalt  }
0x6b: {  	_ =	shalt  }
0x6c: {  	_ =	shalt  }
0x6d: {  	_ =	shalt  }
0x6e: {  	_ =	shalt  }
0x6f: {  	_ =	shalt  }
0x70: {  	_ =	shalt  }
0x71: {  	_ =	shalt  }
0x72: {  	_ =	shalt  }
0x73: {  	_ =	shalt  }
0x74: {  	_ =	shalt  }
0x75: {  	_ =	shalt  }
0x76: {  	_ =	shalt  }
0x77: {  	_ =	shalt  }
0x78: {  	_ =	shalt  }
0x79: {  	_ =	shalt  }
0x7a: {  	_ =	shalt  }
0x7b: {  	_ =	shalt  }
0x7c: {  	_ =	shalt  }
0x7d: {  	_ =	shalt  }
0x7e: {  	_ =	shalt  }
0x7f: {  	_ =	shalt  }
0x80: {  	_ =	shalt  }
0x81: {  	_ =	shalt  }
0x82: {  	_ =	shalt  }
0x83: {  	_ =	shalt  }
0x84: {  	_ =	shalt  }
0x85: {  	_ =	shalt  }
0x86: {  	_ =	shalt  }
0x87: {  	_ =	shalt  }
.Lfunc_end0:
.L_simem_size_0:
called_computation.1_lowered:
.L_overlay_start_0:
0x88: {  	s2 =	sld [smem:$0x3FD9]  }
0x89: {  	s3 =	sld [smem:$0x3FFE];
	_ =	sdelay $0x1  }
0x8a: {  	s1 =	srdreg.scid  }
0x8b: {  	s0 =	sand.u32 $0x1, s1  }
0x8c: {  	s17 =	sshll.u32 s0, $0xA;
	s2 =	sadd.s32 s3, s2  }
0x8d: {  	s2 =	sadd.s32 s2, s17  }
0x8e: {  	[smem:$0x3FBF] =	sst s2  }
0x8f: {  	_ = 	snop  }
0x90: {  	s2 =	sld [smem:$0x3FC8]  }
0x91: {  	s18 =	sld [smem:$0x3FD0];
	(tm) =	ssettm $0x1  }
0x92: {  	s4 =	sld [smem:$0x3FFB];
	_ =	sdelay $0x3  }
0x93: {  	_ =	strace s4  }
0x94: {  	s4 =	sld [smem:$0x3FFC];
	_ =	sdelay $0x3  }
0x95: {  	_ =	strace s4  }
0x96: {  	s4 =	sld [smem:$0x3FFD];
	_ =	sdelay $0x3  }
0x97: {  	_ =	strace s4  }
0x98: {  	_ =	strace $0x8FFFFFFF  }
0x99: {  	s19 =	sld [smem:$0x3FDB];
	_ =	sdelay $0x1  }
0x9a: {  	s5 =	simm.s32 $_scs_section_size  }
0x9b: {  	s6 =	simm.s32 $_size__tile_overlayer_lowered;
	s7 =	simm.s32 $_tile_overlayer_lowered  }
0x9c: {  	s22 =	simm.s32 $0x1BFF;
	s21 =	sshll.u32 s7, $0x1;
	s4 =	sadd.s32 s5, s19  }
0x9d: {  	s8 =	simm.s32 $0x0;
	s20 =	sshll.u32 s6, $0x1;
	s6 =	sadd.s32 s21, s4  }
0x9e: {  	[timem:s8], [sflag:s22] =	dma.local [hbm:s6], s20  }
0x9f: {  	_ =	swait.ge [sflag:s22], s20  }
0xa0: {  	s5 =	ssub.s32 $0x0, s20;
	[sflag:s22] =	ssyncset.done $0x0  }
0xa1: {  	[sflag:s22] =	ssyncadd.s32 s5;
	_ =	sdelay $0x1  }
0xa2: {  	s23 =	simm.s32 $0x1B8B  }
0xa3: {  	_ =	swait.ge [sflag:s23], $0x1  }
0xa4: {  	[sflag:s23] =	ssyncset.done $0x0  }
0xa5: {  	s25 =	simm.s32 $0x1B8E;
	s24 =	sld [smem:$0x3FFE];
	[sflag:s23] =	ssyncadd.s32 $0xFFFFFFFF  }
0xa6: {  	s26 =	simm.s32 $execute0_lowered;
	[smem:$0x3FD2] =	sst s25  }
0xa7: {  	s6 =	sshll.u32 s26, $0x1;
	_ =	strace $0x80000049;
	[dreg:$0x1] =	wrdreg $0xFFFFFFFF  }
0xa8: {  	s28 =	simm.s32 $_size_execute0_lowered;
	s4 =	sadd.s32 s4, s6;
	[dreg:$0x0] =	wrdreg $0x0  }
0xa9: {  	s6 =	sshll.u32 s28, $0x1;
	[dreg:$0x2] =	wrdreg s4  }
0xaa: {  	[dreg:$0x3] =	wrdreg s6  }
0xab: {  	[dreg:$0x4] =	wrdreg $0xC0  }
0xac: {  	_ =	task [dreg:s8], $0x5FFFF  }
0xad: {  	[dreg:$0x1] =	wrdreg $0xFFFFFFFF  }
0xae: {  	[dreg:$0x0] =	wrdreg $0x60  }
0xaf: {  	[dreg:$0x2] =	wrdreg s18  }
0xb0: {  	[dreg:$0x3] =	wrdreg s2  }
0xb1: {  	[dreg:$0x4] =	wrdreg s24  }
0xb2: {  	[dreg:$0x5] =	wrdreg $0x9  }
0xb3: {  	_ =	task.clear_ibuf [dreg:s8], $0x6FFFF;
	_ =	strace $0x90000049  }
0xb4: {  	s29 =	simm.s32 $0x9;
	_ =	strace $0x8000004B  }
0xb5: {  	_ =	swait.ge [sflag:s29], $0x1  }
0xb6: {  	[sflag:s29] =	ssyncadd.s32 $0xFFFFFFFF  }
0xb7: {  	_ =	strace $0x9000004B  }
0xb8: {  	_ =	sfence  }
0xb9: {  	s30 =	sld [smem:$0x0];
	_ =	sdelay $0x2  }
0xba: {  	s31 =	sshll.u32 s1, $0xD;
	s1 =	sshrl.u32 s1, $0x2  }
0xbb: {  	s3 =	sand.u32 $0x4000, s31;
	s1 =	sadd.s32 s1, s30  }
0xbc: {  	s0 =	sor.u32 s3, s0;
	s1 =	sshll.u32 s1, $0x11  }
0xbd: {  	s0 =	sor.u32 s1, s0  }
0xbe: {  	s0 =	sadd.s32 $0x8F2B, s0  }
0xbf: {  	[sflag:s0] =	ssyncadd.remote.s32 $0x1  }
0xc0: {  	_ =	sfence.sel $0xFFFF  }
0xc1: {  	[dreg:$0x0] =	wrdreg $0xFFFFFFFF;
	(pc) =	sbr.abs _section_cstart, $3  }
0xc2: {  	[dreg:$0x1] =	wrdreg $0xFFFFFFFF  }
0xc3: {  	_ =	task.clear_ibuf [dreg:s8], $0x2FFFF;
	_ =	strace $0x9FFFFFFF  }
0xc4: {  	(tm) =	ssettm $0x7FFFFFFF  }
0xc5: {  	_ =	shalt  }
tec
execute0_lowered:
.L_overlay_start_1:
0x0: {  	(tag) =	ssettag $0x1  }
0x1: {  	s1 =	rddreg [dreg:$0x0]  }
0x2: {  	s2 =	srdreg.scid;
	s5 =	rddreg [dreg:$0x1]  }
0x3: {  	s0 =	stileid.u32;
	s6 =	rddreg [dreg:$0x2]  }
0x4: {  	s11 =	simm.s32 $0x7680;
	s12 =	simm.s32 $0x80;
	s13 =	simm.s32 $0x400  }
0x5: {  	s14 =	simm.s32 $0x0;
	s28 =	sshrl.u32 s0, $0x2;
	s29 =	smul.u32 $0x4E20, s0  }
0x6: {  	s4 =	sand.u32 $0x1, s2;
	s26 =	sshll.u32 s0, $0x1;
	s7 =	smul.u32 $0x13C00, s28  }
0x7: {  	s2 =	rddreg [dreg:$0x3];
	s3 =	sor.u32 s4, s26;
	s10 =	smul.u32 $0x2710, s4  }
0x8: {  	s8 =	sshll.u32 s3, $0x7;
	s9 =	smul.u32 $0x2710, s3;
	s3 =	simm.s32 $0x0  }
0x9: {  	s4 =	ssub.s32 $0x2, s4;
	s8 =	sand.u32 $0x380, s8;
	[smem:$0x7FF] =	sst s3  }
0xa: {  	s30 =	sshrl.u32 s4, $0x1;
	s7 =	sor.u32 s7, s8;
	_ =	strace $0x8000004A  }
0xb: {  	s9 =	sshrl.u32 s9, $0x2;
	s8 =	sadd.s32 s10, s29;
	s10 =	simm.s32 $0x2780  }
0xc: {  	s7 =	sshrl.u32 s7, $0x3;
	s31 =	sand.u32 $0x1FFE0, s9;
	s8 =	sshrl.u32 s8, $0x4  }
0xd: {  	s9 =	simm.s32 $0x1;
	s6 =	sadd.s32 s7, s6;
	s7 =	ssub.s32 s4, s30  }
0xe: {  	s4 =	sadd.s32 s5, s31;
	s8 =	sand.u32 $0x7, s8;
	s5 =	sadd.s32 $0xA00, s6  }
0xf: {  	v0 =	vimm.f32 $0.0e+00;
	s6 =	smax.u32 s7, $0x1;
	s7 =	sshll.u32 s8, $0x5;
	s8 =	sshll.u32 s8, $0x4  }
.LBB2_1:
0x10: {  	[tilespmem:s3], [sflag:$0x1] =	stream.linear.gather [hbm4b:s1+s3], $0x2780, $0x38;
	[tilespmem:$0x9E00] =	vst v63  }
0x11: {  	_ =	swait.ge [sflag:s9], $0x2780  }
0x12: {  	[sflag:s9] =	ssyncset.done $0x0  }
0x13: {  	[sflag:s9] =	ssyncadd.s32 $0xFFFFD880  }
0x14: {  	[tilespmem:s10], [sflag:$0x1] =	stream.linear.gather [hbm4b:s4+s3], $0x4F00, $0x38;
	[tilespmem:$0x9E00] =	vst v63  }
0x15: {  	_ =	swait.ge [sflag:s9], $0x4F00  }
0x16: {  	[sflag:s9] =	ssyncset.done $0x0  }
0x17: {  	s15 =	simm.s32 $0x0;
	[sflag:s9] =	ssyncadd.s32 $0xFFFFB100  }
.LBB2_2:
0x18: {  	p0 =	sne.s32 s15, $0x9C00  }
.Ltmp0:
0x19: {  	_ = 	snop;
	(pc) =	sbr.rel @p0 .LBB2_2-.Ltmp0, $3  }
0x1a: {  	_ =	sdelay $0x1  }
0x1b: {  	s16 =	sshra.s32 s15, $0x2  }
0x1c: {  	s15 =	sadd.s32 $0x40, s15;
	[tilespmem:s16+$0x7680] =	vst v0  }
0x1d: {  	s15 =	sadd.s32 $0x0, s8  }
0x1e: {  	s16 =	sand.u32 $0xFF00, s7;
	s15 =	sand.u32 $0x70, s15  }
0x1f: {  	s15 =	sor.u32 s15, s16  }
0x20: {  	v2 =	vld [tilespmem:s15+$0x2780];
	_ =	sdelay $0x4  }
0x21: {  	v1 =	vld [tilespmem:s15+$0x2800];
	_ =	sdelay $0x2  }
0x22: {  	v2 =	vld.idx.msk [tilespmem:v2+s3+$0x0], $0xffff;
	_ =	sdelay $0x2  }
0x23: {  	s17 =	sadd.s32 $0x10, s8;
	s16 =	simm.s32 $0x20;
	s15 =	sadd.s32 $0x20, s7  }
.LBB2_4:
0x24: {  	p0 =	sne.s32 s16, $0x2700;
	s17 =	sand.u32 $0x70, s17;
	s18 =	sand.u32 $0xFF00, s15  }
0x25: {  	s17 =	sor.u32 s17, s18;
	[tilespmem:v1+s11+$0x0] =	vst.idx.add.f32.msk $0xffff, v2  }
0x26: {  	v2 =	vld [tilespmem:s17+$0x2780];
	_ =	sdelay $0x5  }
0x27: {  	v1 =	vld [tilespmem:s17+$0x2800];
	_ =	sdelay $0x1  }
.Ltmp1:
0x28: {  	v2 =	vld.idx.msk [tilespmem:v2+s3+$0x0], $0xffff;
	(pc) =	sbr.rel @p0 .LBB2_4-.Ltmp1, $2  }
0x29: {  	_ =	sdelay $0x2  }
0x2a: {  	s15 =	sadd.s32 $0x20, s15;
	s17 =	sadd.s32 s16, s8;
	s16 =	sadd.s32 $0x10, s16  }
0x2b: {  	_ =	sdelay $0x2  }
0x2c: {  	s16 =	sand.u32 $0x70, s17;
	s15 =	sand.u32 $0xFF00, s15  }
0x2d: {  	[tilespmem:v1+s11+$0x0] =	vst.idx.add.f32.msk $0xffff, v2;
	s15 =	sor.u32 s16, s15  }
0x2e: {  	v1 =	vld [tilespmem:s15+$0x2780];
	_ =	sdelay $0x4  }
0x2f: {  	v2 =	vld [tilespmem:s15+$0x2800];
	_ =	sdelay $0x2  }
0x30: {  	v1 =	vld.idx.msk [tilespmem:v1+s3+$0x0], $0xffff;
	_ =	sdelay $0x2  }
0x31: {  	s14 =	sadd.s32 $0x1, s14  }
0x32: {  	p0 =	sne.s32 s14, s6  }
.Ltmp2:
0x33: {  	[tilespmem:v2+s11+$0x0] =	vst.idx.add.f32.msk $0xffff, v1;
	(pc) =	sbr.rel @p0 .LBB2_1-.Ltmp2, $4  }
0x34: {  	[hbm4b:s5+s12] =	stream.strided.scatter [tilespmem:s11], [sflag:$0x1], $0x2780, s13, s12, $0x38;
	[tilespmem:$0x9E00] =	vst v63  }
0x35: {  	_ =	swait.ge [sflag:s9], $0x2780  }
0x36: {  	[sflag:s9] =	ssyncset.done $0x0  }
0x37: {  	[sflag:s9] =	ssyncadd.s32 $0xFFFFD880  }
0x38: {  	_ =	sfence.sel $0x180000  }
0x39: {  	[bflag:$0x0] =	sbarrier.arrive $0xFFFF  }
0x3a: {  	p0 =	sne.s32 s0, $0x0;
	_ =	strace $0x9000004A  }
0x3b: {  	s0 =	sadd.s32 @!p0 $0x100000, s2;
	[bflag:$0x2] =	sbarrier.arrive $0xFFFF  }
0x3c: {  	[sflag:s0] =	ssyncadd.tile.s32 @!p0 $0x1;
	_ =	shalt  }
.Lfunc_end2:
_tile_overlayer_lowered:
.L_overlay_start_2:
0x3d: {  	(tag) =	ssettag $0x2  }
0x3e: {  	s0 =	rddreg [dreg:$0x0];
	s2 =	stileid.u32  }
0x3f: {  	s1 =	rddreg [dreg:$0x1];
	p0 =	sne.s32 s2, $0x0  }
0x40: {  	s3 =	rddreg [dreg:$0x2];
	[bflag:$0x3] =	sbarrier.arrive $0xFFFF;
	s2 =	simm.s32 @!p0 $0x1C01  }
0x41: {  	[timem:s3], [sflag:s2] =	dma.local @!p0 [hbm:s0], s1  }
0x42: {  	s0 =	simm.s32 @!p0 $0x1  }
0x43: {  	_ =	swait.ge @!p0 [sflag:s0], s1  }
0x44: {  	s1 =	ssub.s32 @!p0 $0x0, s1;
	[sflag:s0] =	ssyncset.done @!p0 $0x0  }
0x45: {  	[sflag:s0] =	ssyncadd.s32 @!p0 s1  }
0x46: {  	[bflag:$0x3] =	sbarrier.arrive $0xFFFF  }
0x47: {  	_ =	shalt  }

// kernel: kernel.16.cloned.1.call-start
scs
__scs_entry_jumppad:
0x0: {  	(pc) =	sbr.rel $0x88, $3  }
0x1: {  	(tag) =	ssettag $0x0;
	lr =	simm.s32 $0x1  }
0x2: {  	[smem:$0x3F98] =	sst lr;
	_ =	strace $0xD0000000  }
0x3: {  	_ = 	snop  }
0x4: {  	_ = 	snop  }
0x5: {  	_ = 	snop  }
0x6: {  	_ = 	snop  }
0x7: {  	_ = 	snop  }
__scs_overlays_trampoline_lowered:
0x8: {  	[smem:$0x3FA7] =	sst s0  }
0x9: {  	[smem:$0x3FA8] =	sst s1  }
0xa: {  	[smem:$0x3FA9] =	sst s2  }
0xb: {  	[smem:$0x3FAA] =	sst s3  }
0xc: {  	[smem:$0x3FAB] =	sst s4  }
0xd: {  	[smem:$0x3FAC] =	sst s5  }
0xe: {  	[smem:$0x3FAD] =	sst s6  }
0xf: {  	[smem:$0x3FAE] =	sst s7  }
0x10: {  	[smem:$0x3FAF] =	sst s8  }
0x11: {  	[smem:$0x3FB0] =	sst s9;
	s0 =	simm.s32 @!p0 $0x0  }
0x12: {  	s1 =	sld [smem:$0x3F96];
	s0 =	simm.s32 @p0 $0x1  }
0x13: {  	[smem:$0x3FB1] =	sst s0;
	s0 =	simm.s32 @!p1 $0x0  }
0x14: {  	s2 =	sld [smem:$0x3F95];
	s0 =	simm.s32 @p1 $0x1  }
0x15: {  	[smem:$0x3FB2] =	sst s0;
	s0 =	simm.s32 @!p2 $0x0  }
0x16: {  	s3 =	sld [smem:$0x3FDB];
	s0 =	simm.s32 @p2 $0x1  }
0x17: {  	s4 =	simm.s32 $0x1BF5;
	[smem:$0x3FB4] =	sst s0  }
0x18: {  	s0 =	sld [smem:$0x3F97];
	_ =	swait.ge [sflag:s4], $0x0  }
0x19: {  	s7 =	sld [smem:$0x3F98]  }
0x1a: {  	s8 =	sadd.s32 $0xFFFFE003, lr  }
0x1b: {  	s9 =	sadd.s32 $0xFFFFFEF7, lr;
	s5 =	simm.s32 $0xFFFFFFFF;
	p2 =	slt.u32 s8, $0xFFFFF086  }
0x1c: {  	p1 =	slt.u32 s9, $0xF7A;
	s5 =	simm.s32 @!p2 $0x0  }
0x1d: {  	s5 =	simm.s32 @p1 $0x1;
	p0 =	seq.s32 s7, s2  }
0x1e: {  	s7 =	smul.u32 @!p0 $0xF7A, s2;
	p2 =	seq.s32 @!p0 s5, $0x0  }
0x1f: {  	s9 =	smul.u32 $0xF7A, s1;
	s8 =	simm.s32 @!p0 $0x1BF5;
	p2 =	por !p2, p0  }
0x20: {  	[sflag:s8] =	ssyncset.s32 @!p0 $0xFFFFF086;
	s6 =	sadd.s32 @!p0 s3, s7;
	s7 =	simm.s32 @!p0 $0x108  }
0x21: {  	s3 =	sadd.s32 s3, s9;
	s6 =	sadd.s32 @!p0 $0x88, s6;
	s7 =	simm.s32 @p2 $0x1082  }
0x22: {  	[simem:s7], [sflag:s8] =	dma.local @!p0 [hbm:s6], $0xF7A  }
0x23: {  	s9 =	sor.u32 $0xD0000000, s2;
	s6 =	simm.s32 $0x108;
	_ =	swait.ge @!p0 [sflag:s8], $0x0  }
0x24: {  	s3 =	sadd.s32 $0x88, s3;
	s6 =	simm.s32 @!p1 $0x1082;
	[sflag:s4] =	ssyncset.s32 $0xFFFFF086  }
0x25: {  	[simem:s6], [sflag:s4] =	dma.local [hbm:s3], $0xF7A  }
0x26: {  	[smem:$0x3F98] =	sst s1;
	(tag) =	ssettag s2;
	_ =	strace s9  }
0x27: {  	s1 =	sld [smem:$0x3FA8]  }
0x28: {  	s2 =	sld [smem:$0x3FA9]  }
0x29: {  	s4 =	sld [smem:$0x3FAB]  }
0x2a: {  	p0 =	seq.s32 s5, $0x0;
	s5 =	sld [smem:$0x3FAC]  }
0x2b: {  	s6 =	sld [smem:$0x3FAD]  }
0x2c: {  	s7 =	sld [smem:$0x3FAE]  }
0x2d: {  	s3 =	simm.s32 $0x108;
	s8 =	sld [smem:$0x3FAF]  }
0x2e: {  	s3 =	simm.s32 @!p0 $0x1082;
	s9 =	sld [smem:$0x3FB0]  }
0x2f: {  	lr =	sadd.s32 s0, s3;
	s0 =	sld [smem:$0x3FA7]  }
0x30: {  	s3 =	sld [smem:$0x3FAA]  }
0x31: {  	[smem:$0x3FB3] =	sst s10  }
0x32: {  	s10 =	sld [smem:$0x3FB1];
	_ =	sdelay $0x3  }
0x33: {  	p0 =	seq.s32 s10, $0x1;
	s10 =	sld [smem:$0x3FB3];
	_ =	sdelay $0x3  }
0x34: {  	[smem:$0x3FB3] =	sst s10  }
0x35: {  	s10 =	sld [smem:$0x3FB2];
	_ =	sdelay $0x3  }
0x36: {  	p1 =	seq.s32 s10, $0x1;
	s10 =	sld [smem:$0x3FB3];
	_ =	sdelay $0x3  }
0x37: {  	[smem:$0x3FB3] =	sst s10  }
0x38: {  	s10 =	sld [smem:$0x3FB4]  }
0x39: {  	_ = 	snop;
	(pc) =	sbr.ind lr, $3  }
0x3a: {  	_ = 	snop  }
0x3b: {  	_ = 	snop  }
0x3c: {  	p2 =	seq.s32 s10, $0x1;
	s10 =	sld [smem:$0x3FB3]  }
0x3d: {  	_ =	shalt  }
0x3e: {  	_ =	shalt  }
0x3f: {  	_ =	shalt  }
0x40: {  	_ =	shalt  }
0x41: {  	_ =	shalt  }
0x42: {  	_ =	shalt  }
0x43: {  	_ =	shalt  }
0x44: {  	_ =	shalt  }
0x45: {  	_ =	shalt  }
0x46: {  	_ =	shalt  }
0x47: {  	_ =	shalt  }
0x48: {  	_ =	shalt  }
0x49: {  	_ =	shalt  }
0x4a: {  	_ =	shalt  }
0x4b: {  	_ =	shalt  }
0x4c: {  	_ =	shalt  }
0x4d: {  	_ =	shalt  }
0x4e: {  	_ =	shalt  }
0x4f: {  	_ =	shalt  }
0x50: {  	_ =	shalt  }
0x51: {  	_ =	shalt  }
0x52: {  	_ =	shalt  }
0x53: {  	_ =	shalt  }
0x54: {  	_ =	shalt  }
0x55: {  	_ =	shalt  }
0x56: {  	_ =	shalt  }
0x57: {  	_ =	shalt  }
0x58: {  	_ =	shalt  }
0x59: {  	_ =	shalt  }
0x5a: {  	_ =	shalt  }
0x5b: {  	_ =	shalt  }
0x5c: {  	_ =	shalt  }
0x5d: {  	_ =	shalt  }
0x5e: {  	_ =	shalt  }
0x5f: {  	_ =	shalt  }
0x60: {  	_ =	shalt  }
0x61: {  	_ =	shalt  }
0x62: {  	_ =	shalt  }
0x63: {  	_ =	shalt  }
0x64: {  	_ =	shalt  }
0x65: {  	_ =	shalt  }
0x66: {  	_ =	shalt  }
0x67: {  	_ =	shalt  }
0x68: {  	_ =	shalt  }
0x69: {  	_ =	shalt  }
0x6a: {  	_ =	shalt  }
0x6b: {  	_ =	shalt  }
0x6c: {  	_ =	shalt  }
0x6d: {  	_ =	shalt  }
0x6e: {  	_ =	shalt  }
0x6f: {  	_ =	shalt  }
0x70: {  	_ =	shalt  }
0x71: {  	_ =	shalt  }
0x72: {  	_ =	shalt  }
0x73: {  	_ =	shalt  }
0x74: {  	_ =	shalt  }
0x75: {  	_ =	shalt  }
0x76: {  	_ =	shalt  }
0x77: {  	_ =	shalt  }
0x78: {  	_ =	shalt  }
0x79: {  	_ =	shalt  }
0x7a: {  	_ =	shalt  }
0x7b: {  	_ =	shalt  }
0x7c: {  	_ =	shalt  }
0x7d: {  	_ =	shalt  }
0x7e: {  	_ =	shalt  }
0x7f: {  	_ =	shalt  }
0x80: {  	_ =	shalt  }
0x81: {  	_ =	shalt  }
0x82: {  	_ =	shalt  }
0x83: {  	_ =	shalt  }
0x84: {  	_ =	shalt  }
0x85: {  	_ =	shalt  }
0x86: {  	_ =	shalt  }
0x87: {  	_ =	shalt  }
.Lfunc_end0:
.L_simem_size_0:
called_computation.2_lowered:
.L_overlay_start_0:
0x88: {  	s2 =	sld [smem:$0x3FD9]  }
0x89: {  	s3 =	sld [smem:$0x3FFE];
	_ =	sdelay $0x1  }
0x8a: {  	s1 =	srdreg.scid  }
0x8b: {  	s0 =	sand.u32 $0x1, s1  }
0x8c: {  	s17 =	sshll.u32 s0, $0xA;
	s2 =	sadd.s32 s3, s2  }
0x8d: {  	s2 =	sadd.s32 s2, s17  }
0x8e: {  	[smem:$0x3FBF] =	sst s2  }
0x8f: {  	_ = 	snop  }
0x90: {  	s2 =	sld [smem:$0x3FC8]  }
0x91: {  	s18 =	sld [smem:$0x3FD0];
	(tm) =	ssettm $0x1  }
0x92: {  	s4 =	sld [smem:$0x3FFB];
	_ =	sdelay $0x3  }
0x93: {  	_ =	strace s4  }
0x94: {  	s4 =	sld [smem:$0x3FFC];
	_ =	sdelay $0x3  }
0x95: {  	_ =	strace s4  }
0x96: {  	s4 =	sld [smem:$0x3FFD];
	_ =	sdelay $0x3  }
0x97: {  	_ =	strace s4  }
0x98: {  	_ =	strace $0x8FFFFFFF  }
0x99: {  	s19 =	sld [smem:$0x3FDB];
	_ =	sdelay $0x1  }
0x9a: {  	s5 =	simm.s32 $_scs_section_size  }
0x9b: {  	s6 =	simm.s32 $_size__tile_overlayer_lowered;
	s7 =	simm.s32 $_tile_overlayer_lowered  }
0x9c: {  	s22 =	simm.s32 $0x1BFF;
	s21 =	sshll.u32 s7, $0x1;
	s4 =	sadd.s32 s5, s19  }
0x9d: {  	s8 =	simm.s32 $0x0;
	s20 =	sshll.u32 s6, $0x1;
	s6 =	sadd.s32 s21, s4  }
0x9e: {  	[timem:s8], [sflag:s22] =	dma.local [hbm:s6], s20  }
0x9f: {  	_ =	swait.ge [sflag:s22], s20  }
0xa0: {  	s5 =	ssub.s32 $0x0, s20;
	[sflag:s22] =	ssyncset.done $0x0  }
0xa1: {  	[sflag:s22] =	ssyncadd.s32 s5;
	_ =	sdelay $0x1  }
0xa2: {  	s23 =	simm.s32 $0x1B8B  }
0xa3: {  	_ =	swait.ge [sflag:s23], $0x1  }
0xa4: {  	[sflag:s23] =	ssyncset.done $0x0  }
0xa5: {  	s25 =	simm.s32 $0x1B8E;
	s24 =	sld [smem:$0x3FFE];
	[sflag:s23] =	ssyncadd.s32 $0xFFFFFFFF  }
0xa6: {  	s26 =	simm.s32 $execute0_lowered;
	[smem:$0x3FD2] =	sst s25  }
0xa7: {  	s6 =	sshll.u32 s26, $0x1;
	_ =	strace $0x8000004C;
	[dreg:$0x1] =	wrdreg $0xFFFFFFFF  }
0xa8: {  	s28 =	simm.s32 $_size_execute0_lowered;
	s4 =	sadd.s32 s4, s6;
	[dreg:$0x0] =	wrdreg $0x0  }
0xa9: {  	s6 =	sshll.u32 s28, $0x1;
	[dreg:$0x2] =	wrdreg s4  }
0xaa: {  	[dreg:$0x3] =	wrdreg s6  }
0xab: {  	[dreg:$0x4] =	wrdreg $0xC0  }
0xac: {  	_ =	task [dreg:s8], $0x5FFFF  }
0xad: {  	[dreg:$0x1] =	wrdreg $0xFFFFFFFF  }
0xae: {  	[dreg:$0x0] =	wrdreg $0x60  }
0xaf: {  	[dreg:$0x2] =	wrdreg s18  }
0xb0: {  	[dreg:$0x3] =	wrdreg s2  }
0xb1: {  	[dreg:$0x4] =	wrdreg s24  }
0xb2: {  	[dreg:$0x5] =	wrdreg $0x9  }
0xb3: {  	_ =	task.clear_ibuf [dreg:s8], $0x6FFFF;
	_ =	strace $0x9000004C  }
0xb4: {  	s29 =	simm.s32 $0x9;
	_ =	strace $0x8000004E  }
0xb5: {  	_ =	swait.ge [sflag:s29], $0x1  }
0xb6: {  	[sflag:s29] =	ssyncadd.s32 $0xFFFFFFFF  }
0xb7: {  	_ =	strace $0x9000004E  }
0xb8: {  	_ =	sfence  }
0xb9: {  	s30 =	sld [smem:$0x0];
	_ =	sdelay $0x2  }
0xba: {  	s31 =	sshll.u32 s1, $0xD;
	s1 =	sshrl.u32 s1, $0x2  }
0xbb: {  	s3 =	sand.u32 $0x4000, s31;
	s1 =	sadd.s32 s1, s30  }
0xbc: {  	s0 =	sor.u32 s3, s0;
	s1 =	sshll.u32 s1, $0x11  }
0xbd: {  	s0 =	sor.u32 s1, s0  }
0xbe: {  	s0 =	sadd.s32 $0x8F2B, s0  }
0xbf: {  	[sflag:s0] =	ssyncadd.remote.s32 $0x1  }
0xc0: {  	_ =	sfence.sel $0xFFFF  }
0xc1: {  	[dreg:$0x0] =	wrdreg $0xFFFFFFFF;
	(pc) =	sbr.abs _section_cstart, $3  }
0xc2: {  	[dreg:$0x1] =	wrdreg $0xFFFFFFFF  }
0xc3: {  	_ =	task.clear_ibuf [dreg:s8], $0x2FFFF;
	_ =	strace $0x9FFFFFFF  }
0xc4: {  	(tm) =	ssettm $0x7FFFFFFF  }
0xc5: {  	_ =	shalt  }
tec
execute0_lowered:
.L_overlay_start_1:
0x0: {  	(tag) =	ssettag $0x1  }
0x1: {  	s1 =	rddreg [dreg:$0x0]  }
0x2: {  	s2 =	srdreg.scid;
	s5 =	rddreg [dreg:$0x1]  }
0x3: {  	s0 =	stileid.u32;
	s6 =	rddreg [dreg:$0x2]  }
0x4: {  	s11 =	simm.s32 $0x7680;
	s12 =	simm.s32 $0x80;
	s13 =	simm.s32 $0x400  }
0x5: {  	s14 =	simm.s32 $0x0;
	s28 =	sshrl.u32 s0, $0x2;
	s29 =	smul.u32 $0x4E20, s0  }
0x6: {  	s4 =	sand.u32 $0x1, s2;
	s26 =	sshll.u32 s0, $0x1;
	s7 =	smul.u32 $0x13C00, s28  }
0x7: {  	s2 =	rddreg [dreg:$0x3];
	s3 =	sor.u32 s4, s26;
	s10 =	smul.u32 $0x2710, s4  }
0x8: {  	s8 =	sshll.u32 s3, $0x7;
	s9 =	smul.u32 $0x2710, s3;
	s3 =	simm.s32 $0x0  }
0x9: {  	s4 =	ssub.s32 $0x2, s4;
	s8 =	sand.u32 $0x380, s8;
	[smem:$0x7FF] =	sst s3  }
0xa: {  	s30 =	sshrl.u32 s4, $0x1;
	s7 =	sor.u32 s7, s8;
	_ =	strace $0x8000004D  }
0xb: {  	s9 =	sshrl.u32 s9, $0x2;
	s8 =	sadd.s32 s10, s29;
	s10 =	simm.s32 $0x2780  }
0xc: {  	s7 =	sshrl.u32 s7, $0x3;
	s31 =	sand.u32 $0x1FFE0, s9;
	s8 =	sshrl.u32 s8, $0x4  }
0xd: {  	s9 =	simm.s32 $0x1;
	s6 =	sadd.s32 s7, s6;
	s7 =	ssub.s32 s4, s30  }
0xe: {  	s4 =	sadd.s32 s5, s31;
	s8 =	sand.u32 $0x7, s8;
	s5 =	sadd.s32 $0xA00, s6  }
0xf: {  	v0 =	vimm.f32 $0.0e+00;
	s6 =	smax.u32 s7, $0x1;
	s7 =	sshll.u32 s8, $0x5;
	s8 =	sshll.u32 s8, $0x4  }
.LBB2_1:
0x10: {  	[tilespmem:s3], [sflag:$0x1] =	stream.linear.gather [hbm4b:s1+s3], $0x2780, $0x38;
	[tilespmem:$0x9E00] =	vst v63  }
0x11: {  	_ =	swait.ge [sflag:s9], $0x2780  }
0x12: {  	[sflag:s9] =	ssyncset.done $0x0  }
0x13: {  	[sflag:s9] =	ssyncadd.s32 $0xFFFFD880  }
0x14: {  	[tilespmem:s10], [sflag:$0x1] =	stream.linear.gather [hbm4b:s4+s3], $0x4F00, $0x38;
	[tilespmem:$0x9E00] =	vst v63  }
0x15: {  	_ =	swait.ge [sflag:s9], $0x4F00  }
0x16: {  	[sflag:s9] =	ssyncset.done $0x0  }
0x17: {  	s15 =	simm.s32 $0x0;
	[sflag:s9] =	ssyncadd.s32 $0xFFFFB100  }
.LBB2_2:
0x18: {  	p0 =	sne.s32 s15, $0x9C00  }
.Ltmp0:
0x19: {  	_ = 	snop;
	(pc) =	sbr.rel @p0 .LBB2_2-.Ltmp0, $3  }
0x1a: {  	_ =	sdelay $0x1  }
0x1b: {  	s16 =	sshra.s32 s15, $0x2  }
0x1c: {  	s15 =	sadd.s32 $0x40, s15;
	[tilespmem:s16+$0x7680] =	vst v0  }
0x1d: {  	s15 =	sadd.s32 $0x0, s8  }
0x1e: {  	s16 =	sand.u32 $0xFF00, s7;
	s15 =	sand.u32 $0x70, s15  }
0x1f: {  	s15 =	sor.u32 s15, s16  }
0x20: {  	v2 =	vld [tilespmem:s15+$0x2780];
	_ =	sdelay $0x4  }
0x21: {  	v1 =	vld [tilespmem:s15+$0x2800];
	_ =	sdelay $0x2  }
0x22: {  	v2 =	vld.idx.msk [tilespmem:v2+s3+$0x0], $0xffff;
	_ =	sdelay $0x2  }
0x23: {  	s17 =	sadd.s32 $0x10, s8;
	s16 =	simm.s32 $0x20;
	s15 =	sadd.s32 $0x20, s7  }
.LBB2_4:
0x24: {  	p0 =	sne.s32 s16, $0x2700;
	s17 =	sand.u32 $0x70, s17;
	s18 =	sand.u32 $0xFF00, s15  }
0x25: {  	s17 =	sor.u32 s17, s18;
	[tilespmem:v1+s11+$0x0] =	vst.idx.add.f32.msk $0xffff, v2  }
0x26: {  	v2 =	vld [tilespmem:s17+$0x2780];
	_ =	sdelay $0x5  }
0x27: {  	v1 =	vld [tilespmem:s17+$0x2800];
	_ =	sdelay $0x1  }
.Ltmp1:
0x28: {  	v2 =	vld.idx.msk [tilespmem:v2+s3+$0x0], $0xffff;
	(pc) =	sbr.rel @p0 .LBB2_4-.Ltmp1, $2  }
0x29: {  	_ =	sdelay $0x2  }
0x2a: {  	s15 =	sadd.s32 $0x20, s15;
	s17 =	sadd.s32 s16, s8;
	s16 =	sadd.s32 $0x10, s16  }
0x2b: {  	_ =	sdelay $0x2  }
0x2c: {  	s16 =	sand.u32 $0x70, s17;
	s15 =	sand.u32 $0xFF00, s15  }
0x2d: {  	[tilespmem:v1+s11+$0x0] =	vst.idx.add.f32.msk $0xffff, v2;
	s15 =	sor.u32 s16, s15  }
0x2e: {  	v1 =	vld [tilespmem:s15+$0x2780];
	_ =	sdelay $0x4  }
0x2f: {  	v2 =	vld [tilespmem:s15+$0x2800];
	_ =	sdelay $0x2  }
0x30: {  	v1 =	vld.idx.msk [tilespmem:v1+s3+$0x0], $0xffff;
	_ =	sdelay $0x2  }
0x31: {  	s14 =	sadd.s32 $0x1, s14  }
0x32: {  	p0 =	sne.s32 s14, s6  }
.Ltmp2:
0x33: {  	[tilespmem:v2+s11+$0x0] =	vst.idx.add.f32.msk $0xffff, v1;
	(pc) =	sbr.rel @p0 .LBB2_1-.Ltmp2, $4  }
0x34: {  	[hbm4b:s5+s12] =	stream.strided.scatter [tilespmem:s11], [sflag:$0x1], $0x2780, s13, s12, $0x38;
	[tilespmem:$0x9E00] =	vst v63  }
0x35: {  	_ =	swait.ge [sflag:s9], $0x2780  }
0x36: {  	[sflag:s9] =	ssyncset.done $0x0  }
0x37: {  	[sflag:s9] =	ssyncadd.s32 $0xFFFFD880  }
0x38: {  	_ =	sfence.sel $0x180000  }
0x39: {  	[bflag:$0x0] =	sbarrier.arrive $0xFFFF  }
0x3a: {  	p0 =	sne.s32 s0, $0x0;
	_ =	strace $0x9000004D  }
0x3b: {  	s0 =	sadd.s32 @!p0 $0x100000, s2;
	[bflag:$0x2] =	sbarrier.arrive $0xFFFF  }
0x3c: {  	[sflag:s0] =	ssyncadd.tile.s32 @!p0 $0x1;
	_ =	shalt  }
.Lfunc_end2:
_tile_overlayer_lowered:
.L_overlay_start_2:
0x3d: {  	(tag) =	ssettag $0x2  }
0x3e: {  	s0 =	rddreg [dreg:$0x0];
	s2 =	stileid.u32  }
0x3f: {  	s1 =	rddreg [dreg:$0x1];
	p0 =	sne.s32 s2, $0x0  }
0x40: {  	s3 =	rddreg [dreg:$0x2];
	[bflag:$0x3] =	sbarrier.arrive $0xFFFF;
	s2 =	simm.s32 @!p0 $0x1C01  }
0x41: {  	[timem:s3], [sflag:s2] =	dma.local @!p0 [hbm:s0], s1  }
0x42: {  	s0 =	simm.s32 @!p0 $0x1  }
0x43: {  	_ =	swait.ge @!p0 [sflag:s0], s1  }
0x44: {  	s1 =	ssub.s32 @!p0 $0x0, s1;
	[sflag:s0] =	ssyncset.done @!p0 $0x0  }
0x45: {  	[sflag:s0] =	ssyncadd.s32 @!p0 s1  }
0x46: {  	[bflag:$0x3] =	sbarrier.arrive $0xFFFF  }
0x47: {  	_ =	shalt  }

// kernel: kernel.19.cloned.1.call-start
scs
__scs_entry_jumppad:
0x0: {  	(pc) =	sbr.rel $0x88, $3  }
0x1: {  	(tag) =	ssettag $0x0;
	lr =	simm.s32 $0x1  }
0x2: {  	[smem:$0x3F98] =	sst lr;
	_ =	strace $0xD0000000  }
0x3: {  	_ = 	snop  }
0x4: {  	_ = 	snop  }
0x5: {  	_ = 	snop  }
0x6: {  	_ = 	snop  }
0x7: {  	_ = 	snop  }
__scs_overlays_trampoline_lowered:
0x8: {  	[smem:$0x3FA7] =	sst s0  }
0x9: {  	[smem:$0x3FA8] =	sst s1  }
0xa: {  	[smem:$0x3FA9] =	sst s2  }
0xb: {  	[smem:$0x3FAA] =	sst s3  }
0xc: {  	[smem:$0x3FAB] =	sst s4  }
0xd: {  	[smem:$0x3FAC] =	sst s5  }
0xe: {  	[smem:$0x3FAD] =	sst s6  }
0xf: {  	[smem:$0x3FAE] =	sst s7  }
0x10: {  	[smem:$0x3FAF] =	sst s8  }
0x11: {  	[smem:$0x3FB0] =	sst s9;
	s0 =	simm.s32 @!p0 $0x0  }
0x12: {  	s1 =	sld [smem:$0x3F96];
	s0 =	simm.s32 @p0 $0x1  }
0x13: {  	[smem:$0x3FB1] =	sst s0;
	s0 =	simm.s32 @!p1 $0x0  }
0x14: {  	s2 =	sld [smem:$0x3F95];
	s0 =	simm.s32 @p1 $0x1  }
0x15: {  	[smem:$0x3FB2] =	sst s0;
	s0 =	simm.s32 @!p2 $0x0  }
0x16: {  	s3 =	sld [smem:$0x3FDB];
	s0 =	simm.s32 @p2 $0x1  }
0x17: {  	s4 =	simm.s32 $0x1BF5;
	[smem:$0x3FB4] =	sst s0  }
0x18: {  	s0 =	sld [smem:$0x3F97];
	_ =	swait.ge [sflag:s4], $0x0  }
0x19: {  	s7 =	sld [smem:$0x3F98]  }
0x1a: {  	s8 =	sadd.s32 $0xFFFFE003, lr  }
0x1b: {  	s9 =	sadd.s32 $0xFFFFFEF7, lr;
	s5 =	simm.s32 $0xFFFFFFFF;
	p2 =	slt.u32 s8, $0xFFFFF086  }
0x1c: {  	p1 =	slt.u32 s9, $0xF7A;
	s5 =	simm.s32 @!p2 $0x0  }
0x1d: {  	s5 =	simm.s32 @p1 $0x1;
	p0 =	seq.s32 s7, s2  }
0x1e: {  	s7 =	smul.u32 @!p0 $0xF7A, s2;
	p2 =	seq.s32 @!p0 s5, $0x0  }
0x1f: {  	s9 =	smul.u32 $0xF7A, s1;
	s8 =	simm.s32 @!p0 $0x1BF5;
	p2 =	por !p2, p0  }
0x20: {  	[sflag:s8] =	ssyncset.s32 @!p0 $0xFFFFF086;
	s6 =	sadd.s32 @!p0 s3, s7;
	s7 =	simm.s32 @!p0 $0x108  }
0x21: {  	s3 =	sadd.s32 s3, s9;
	s6 =	sadd.s32 @!p0 $0x88, s6;
	s7 =	simm.s32 @p2 $0x1082  }
0x22: {  	[simem:s7], [sflag:s8] =	dma.local @!p0 [hbm:s6], $0xF7A  }
0x23: {  	s9 =	sor.u32 $0xD0000000, s2;
	s6 =	simm.s32 $0x108;
	_ =	swait.ge @!p0 [sflag:s8], $0x0  }
0x24: {  	s3 =	sadd.s32 $0x88, s3;
	s6 =	simm.s32 @!p1 $0x1082;
	[sflag:s4] =	ssyncset.s32 $0xFFFFF086  }
0x25: {  	[simem:s6], [sflag:s4] =	dma.local [hbm:s3], $0xF7A  }
0x26: {  	[smem:$0x3F98] =	sst s1;
	(tag) =	ssettag s2;
	_ =	strace s9  }
0x27: {  	s1 =	sld [smem:$0x3FA8]  }
0x28: {  	s2 =	sld [smem:$0x3FA9]  }
0x29: {  	s4 =	sld [smem:$0x3FAB]  }
0x2a: {  	p0 =	seq.s32 s5, $0x0;
	s5 =	sld [smem:$0x3FAC]  }
0x2b: {  	s6 =	sld [smem:$0x3FAD]  }
0x2c: {  	s7 =	sld [smem:$0x3FAE]  }
0x2d: {  	s3 =	simm.s32 $0x108;
	s8 =	sld [smem:$0x3FAF]  }
0x2e: {  	s3 =	simm.s32 @!p0 $0x1082;
	s9 =	sld [smem:$0x3FB0]  }
0x2f: {  	lr =	sadd.s32 s0, s3;
	s0 =	sld [smem:$0x3FA7]  }
0x30: {  	s3 =	sld [smem:$0x3FAA]  }
0x31: {  	[smem:$0x3FB3] =	sst s10  }
0x32: {  	s10 =	sld [smem:$0x3FB1];
	_ =	sdelay $0x3  }
0x33: {  	p0 =	seq.s32 s10, $0x1;
	s10 =	sld [smem:$0x3FB3];
	_ =	sdelay $0x3  }
0x34: {  	[smem:$0x3FB3] =	sst s10  }
0x35: {  	s10 =	sld [smem:$0x3FB2];
	_ =	sdelay $0x3  }
0x36: {  	p1 =	seq.s32 s10, $0x1;
	s10 =	sld [smem:$0x3FB3];
	_ =	sdelay $0x3  }
0x37: {  	[smem:$0x3FB3] =	sst s10  }
0x38: {  	s10 =	sld [smem:$0x3FB4]  }
0x39: {  	_ = 	snop;
	(pc) =	sbr.ind lr, $3  }
0x3a: {  	_ = 	snop  }
0x3b: {  	_ = 	snop  }
0x3c: {  	p2 =	seq.s32 s10, $0x1;
	s10 =	sld [smem:$0x3FB3]  }
0x3d: {  	_ =	shalt  }
0x3e: {  	_ =	shalt  }
0x3f: {  	_ =	shalt  }
0x40: {  	_ =	shalt  }
0x41: {  	_ =	shalt  }
0x42: {  	_ =	shalt  }
0x43: {  	_ =	shalt  }
0x44: {  	_ =	shalt  }
0x45: {  	_ =	shalt  }
0x46: {  	_ =	shalt  }
0x47: {  	_ =	shalt  }
0x48: {  	_ =	shalt  }
0x49: {  	_ =	shalt  }
0x4a: {  	_ =	shalt  }
0x4b: {  	_ =	shalt  }
0x4c: {  	_ =	shalt  }
0x4d: {  	_ =	shalt  }
0x4e: {  	_ =	shalt  }
0x4f: {  	_ =	shalt  }
0x50: {  	_ =	shalt  }
0x51: {  	_ =	shalt  }
0x52: {  	_ =	shalt  }
0x53: {  	_ =	shalt  }
0x54: {  	_ =	shalt  }
0x55: {  	_ =	shalt  }
0x56: {  	_ =	shalt  }
0x57: {  	_ =	shalt  }
0x58: {  	_ =	shalt  }
0x59: {  	_ =	shalt  }
0x5a: {  	_ =	shalt  }
0x5b: {  	_ =	shalt  }
0x5c: {  	_ =	shalt  }
0x5d: {  	_ =	shalt  }
0x5e: {  	_ =	shalt  }
0x5f: {  	_ =	shalt  }
0x60: {  	_ =	shalt  }
0x61: {  	_ =	shalt  }
0x62: {  	_ =	shalt  }
0x63: {  	_ =	shalt  }
0x64: {  	_ =	shalt  }
0x65: {  	_ =	shalt  }
0x66: {  	_ =	shalt  }
0x67: {  	_ =	shalt  }
0x68: {  	_ =	shalt  }
0x69: {  	_ =	shalt  }
0x6a: {  	_ =	shalt  }
0x6b: {  	_ =	shalt  }
0x6c: {  	_ =	shalt  }
0x6d: {  	_ =	shalt  }
0x6e: {  	_ =	shalt  }
0x6f: {  	_ =	shalt  }
0x70: {  	_ =	shalt  }
0x71: {  	_ =	shalt  }
0x72: {  	_ =	shalt  }
0x73: {  	_ =	shalt  }
0x74: {  	_ =	shalt  }
0x75: {  	_ =	shalt  }
0x76: {  	_ =	shalt  }
0x77: {  	_ =	shalt  }
0x78: {  	_ =	shalt  }
0x79: {  	_ =	shalt  }
0x7a: {  	_ =	shalt  }
0x7b: {  	_ =	shalt  }
0x7c: {  	_ =	shalt  }
0x7d: {  	_ =	shalt  }
0x7e: {  	_ =	shalt  }
0x7f: {  	_ =	shalt  }
0x80: {  	_ =	shalt  }
0x81: {  	_ =	shalt  }
0x82: {  	_ =	shalt  }
0x83: {  	_ =	shalt  }
0x84: {  	_ =	shalt  }
0x85: {  	_ =	shalt  }
0x86: {  	_ =	shalt  }
0x87: {  	_ =	shalt  }
.Lfunc_end0:
.L_simem_size_0:
called_computation.3_lowered:
.L_overlay_start_0:
0x88: {  	s2 =	sld [smem:$0x3FD9]  }
0x89: {  	s3 =	sld [smem:$0x3FFE];
	_ =	sdelay $0x1  }
0x8a: {  	s1 =	srdreg.scid  }
0x8b: {  	s0 =	sand.u32 $0x1, s1  }
0x8c: {  	s17 =	sshll.u32 s0, $0xA;
	s2 =	sadd.s32 s3, s2  }
0x8d: {  	s2 =	sadd.s32 s2, s17  }
0x8e: {  	[smem:$0x3FBF] =	sst s2  }
0x8f: {  	_ = 	snop  }
0x90: {  	s2 =	sld [smem:$0x3FD0];
	(tm) =	ssettm $0x1  }
0x91: {  	s18 =	sld [smem:$0x3FFB];
	_ =	sdelay $0x3  }
0x92: {  	_ =	strace s18  }
0x93: {  	s3 =	sld [smem:$0x3FFC];
	_ =	sdelay $0x3  }
0x94: {  	_ =	strace s3  }
0x95: {  	s3 =	sld [smem:$0x3FFD];
	_ =	sdelay $0x3  }
0x96: {  	_ =	strace s3  }
0x97: {  	_ =	strace $0x8FFFFFFF  }
0x98: {  	s19 =	sld [smem:$0x3FDB];
	_ =	sdelay $0x1  }
0x99: {  	s4 =	simm.s32 $_scs_section_size  }
0x9a: {  	s5 =	simm.s32 $_size__tile_overlayer_lowered;
	s6 =	simm.s32 $_tile_overlayer_lowered  }
0x9b: {  	s22 =	simm.s32 $0x1BFF;
	s21 =	sshll.u32 s6, $0x1;
	s3 =	sadd.s32 s4, s19  }
0x9c: {  	s7 =	simm.s32 $0x0;
	s20 =	sshll.u32 s5, $0x1;
	s5 =	sadd.s32 s21, s3  }
0x9d: {  	[timem:s7], [sflag:s22] =	dma.local [hbm:s5], s20  }
0x9e: {  	_ =	swait.ge [sflag:s22], s20  }
0x9f: {  	s4 =	ssub.s32 $0x0, s20;
	[sflag:s22] =	ssyncset.done $0x0  }
0xa0: {  	[sflag:s22] =	ssyncadd.s32 s4;
	_ =	sdelay $0x1  }
0xa1: {  	s23 =	simm.s32 $0x1B8B  }
0xa2: {  	_ =	swait.ge [sflag:s23], $0x1  }
0xa3: {  	[sflag:s23] =	ssyncset.done $0x0  }
0xa4: {  	s25 =	simm.s32 $0x1B8E;
	s24 =	sld [smem:$0x3FFE];
	[sflag:s23] =	ssyncadd.s32 $0xFFFFFFFF  }
0xa5: {  	s26 =	simm.s32 $execute0_lowered;
	[smem:$0x3FD2] =	sst s25  }
0xa6: {  	s5 =	sshll.u32 s26, $0x1;
	_ =	strace $0x8000004F;
	[dreg:$0x1] =	wrdreg $0xFFFFFFFF  }
0xa7: {  	s28 =	simm.s32 $_size_execute0_lowered;
	s3 =	sadd.s32 s3, s5;
	[dreg:$0x0] =	wrdreg $0x0  }
0xa8: {  	s5 =	sshll.u32 s28, $0x1;
	[dreg:$0x2] =	wrdreg s3  }
0xa9: {  	[dreg:$0x3] =	wrdreg s5  }
0xaa: {  	[dreg:$0x4] =	wrdreg $0xC0  }
0xab: {  	_ =	task [dreg:s7], $0x5FFFF  }
0xac: {  	[dreg:$0x1] =	wrdreg $0xFFFFFFFF  }
0xad: {  	[dreg:$0x0] =	wrdreg $0x60  }
0xae: {  	[dreg:$0x2] =	wrdreg s24  }
0xaf: {  	[dreg:$0x3] =	wrdreg s2  }
0xb0: {  	[dreg:$0x4] =	wrdreg $0x9  }
0xb1: {  	_ =	task.clear_ibuf [dreg:s7], $0x5FFFF;
	_ =	strace $0x9000004F  }
0xb2: {  	s29 =	simm.s32 $0x9;
	_ =	strace $0x80000051  }
0xb3: {  	_ =	swait.ge [sflag:s29], $0x1  }
0xb4: {  	[sflag:s29] =	ssyncadd.s32 $0xFFFFFFFF  }
0xb5: {  	_ =	strace $0x90000051  }
0xb6: {  	_ =	sfence  }
0xb7: {  	s30 =	sld [smem:$0x0];
	_ =	sdelay $0x2  }
0xb8: {  	s31 =	sshll.u32 s1, $0xD;
	s1 =	sshrl.u32 s1, $0x2  }
0xb9: {  	s3 =	sand.u32 $0x4000, s31;
	s1 =	sadd.s32 s1, s30  }
0xba: {  	s0 =	sor.u32 s3, s0;
	s1 =	sshll.u32 s1, $0x11  }
0xbb: {  	s0 =	sor.u32 s1, s0  }
0xbc: {  	s0 =	sadd.s32 $0x8F2B, s0  }
0xbd: {  	[sflag:s0] =	ssyncadd.remote.s32 $0x1  }
0xbe: {  	_ =	sfence.sel $0xFFFF  }
0xbf: {  	[dreg:$0x0] =	wrdreg $0xFFFFFFFF;
	(pc) =	sbr.abs _section_cstart, $3  }
0xc0: {  	[dreg:$0x1] =	wrdreg $0xFFFFFFFF  }
0xc1: {  	_ =	task.clear_ibuf [dreg:s7], $0x2FFFF;
	_ =	strace $0x9FFFFFFF  }
0xc2: {  	(tm) =	ssettm $0x7FFFFFFF  }
0xc3: {  	_ =	shalt  }
tec
execute0_lowered:
.L_overlay_start_1:
0x0: {  	(tag) =	ssettag $0x1  }
0x1: {  	s5 =	rddreg [dreg:$0x0];
	s1 =	srdreg.scid  }
0x2: {  	s0 =	stileid.u32;
	s8 =	rddreg [dreg:$0x1];
	s2 =	simm.s32 $0x0  }
0x3: {  	s15 =	simm.s32 $0x5980;
	s16 =	simm.s32 $0x7130;
	s17 =	simm.s32 $0x0  }
0x4: {  	s4 =	sand.u32 $0x1, s1;
	s3 =	sshll.u32 s0, $0x1;
	s1 =	rddreg [dreg:$0x2]  }
0x5: {  	[smem:$0x7FF] =	sst s2;
	s11 =	sshll.u32 s0, $0x5;
	s14 =	sor.u32 s4, s3  }
0x6: {  	_ =	strace $0x80000050;
	s9 =	ssub.s32 $0x2, s4;
	s4 =	smul.u32 $0x1870, s4  }
0x7: {  	s3 =	sadd.s32 $0xA00, s5;
	s6 =	smul.u32 $0x1870, s14;
	s10 =	sshrl.u32 s9, $0x1  }
0x8: {  	p0 =	seq.s32 s14, $0x1F;
	s14 =	simm.s32 $0x1;
	s10 =	ssub.s32 s9, s10  }
0x9: {  	s29 =	ssub.s32 s4, s11;
	s7 =	sshrl.u32 s6, $0x2;
	s6 =	sshrl.u32 s6, $0x3  }
.Ltmp0:
0xa: {  	s30 =	sshrl.u32 s29, $0x4;
	s10 =	smax.u32 s10, $0x1;
	(pc) =	sbr.rel .LBB2_1-.Ltmp0, $4  }
0xb: {  	s7 =	sand.u32 $0xFFE0, s7;
	s6 =	sadd.s32 s8, s6;
	s31 =	sand.u32 $0x7, s30  }
0xc: {  	s8 =	sadd.s32 $0x5EB2, s8;
	s7 =	sadd.s32 s7, s5;
	s5 =	sadd.s32 $0x16960, s5  }
0xd: {  	s9 =	sshll.u32 s31, $0x5;
	s11 =	sshll.u32 s31, $0x4;
	s4 =	sadd.s32 $0xAC00, s7  }
0xe: {  	s7 =	sadd.s32 $0x2F6, s6;
	s12 =	sadd.s32 $0x2F60, s9;
	s13 =	sadd.s32 $0x17B0, s11  }
.LBB2_7:
0xf: {  	[hbm4b:s8+s2] =	stream.linear.scatter [tilespmem:s15], [sflag:$0x1], $0x17B0, $0x38;
	[tilespmem:$0x7200] =	vst v63  }
0x10: {  	_ =	swait.ge [sflag:s14], $0x17B0  }
0x11: {  	[sflag:s14] =	ssyncset.done $0x0  }
0x12: {  	[sflag:s14] =	ssyncadd.s32 $0xFFFFE850  }
.LBB2_8:
0x13: {  	s17 =	sadd.s32 $0x1, s17  }
0x14: {  	p1 =	sne.s32 s17, s10  }
.Ltmp1:
0x15: {  	_ = 	snop;
	(pc) =	sbr.rel @!p1 .LBB2_9-.Ltmp1, $1  }
0x16: {  	_ =	sdelay $0x3  }
.LBB2_1:
0x17: {  	[tilespmem:s2], [sflag:$0x1] =	stream.linear.gather [hbm4b:s3+s2], $0x2780, $0x38;
	[tilespmem:$0x7200] =	vst v63  }
0x18: {  	_ =	swait.ge [sflag:s14], $0x2780  }
0x19: {  	[sflag:s14] =	ssyncset.done $0x0  }
0x1a: {  	s18 =	simm.s32 @p0 $0x0;
	s19 =	simm.s32 @p0 $0x2780;
	[sflag:s14] =	ssyncadd.s32 $0xFFFFD880  }
0x1b: {  	[tilespmem:s19], [sflag:$0x1] =	stream.linear.gather @p0 [hbm4b:s5+s18], $0x3000, $0x38;
	[tilespmem:$0x7200] =	vst v63  }
0x1c: {  	s18 =	simm.s32 @p0 $0x1  }
0x1d: {  	_ =	swait.ge @p0 [sflag:s18], $0x3000  }
0x1e: {  	[sflag:s18] =	ssyncset.done @p0 $0x0  }
0x1f: {  	s19 =	simm.s32 @!p0 $0x2780;
	[sflag:s18] =	ssyncadd.s32 @p0 $0xFFFFD000;
	s18 =	simm.s32 @!p0 $0x0  }
0x20: {  	[tilespmem:s19], [sflag:$0x1] =	stream.linear.gather @!p0 [hbm4b:s4+s18], $0x3200, $0x38;
	[tilespmem:$0x7200] =	vst v63  }
0x21: {  	s30 =	sand.u32 $0x70, s11;
	s18 =	simm.s32 @!p0 $0x1  }
0x22: {  	s31 =	sand.u32 $0x7F00, s9;
	s20 =	smov.u32 s9;
	_ =	swait.ge @!p0 [sflag:s18], $0x3200  }
0x23: {  	s21 =	smov.u32 s11;
	s22 =	sor.u32 s30, s31;
	[sflag:s18] =	ssyncset.done @!p0 $0x0  }
0x24: {  	s19 =	simm.s32 $0x0;
	[sflag:s18] =	ssyncadd.s32 @!p0 $0xFFFFCE00;
	s18 =	simm.s32 $0x40  }
.LBB2_2:
0x25: {  	p1 =	sne.s32 s18, $0x5E80;
	v0 =	vld [tilespmem:s22+$0x2780]  }
0x26: {  	v1 =	vld [tilespmem:s22+$0x2800];
	_ =	sdelay $0x6  }
0x27: {  	v0 =	vld.idx.msk [tilespmem:v0+s2+$0x0], $0xffff  }
0x28: {  	v1 =	vld.idx.msk [tilespmem:v1+s2+$0x0], $0xffff;
	_ =	sdelay $0x3  }
.Ltmp2:
0x29: {  	(pc) =	sbr.rel @p1 .LBB2_2-.Ltmp2, $4  }
0x2a: {  	_ = 	snop  }
0x2b: {  	s20 =	sadd.s32 $0x20, s20;
	s21 =	sadd.s32 $0x10, s21;
	v0 =	vmul.f32 v1, v0  }
0x2c: {  	s19 =	sshra.s32 s19, $0x2;
	s22 =	sand.u32 $0x70, s21;
	s23 =	sand.u32 $0x7F00, s20  }
0x2d: {  	s22 =	sor.u32 s22, s23;
	[tilespmem:s19+$0x5980] =	vst v0;
	s19 =	smov.u32 s18;
	s18 =	sadd.s32 $0x40, s18  }
0x2e: {  	v0 =	vld [tilespmem:s22+$0x2780]  }
0x2f: {  	v1 =	vld [tilespmem:s22+$0x2800];
	_ =	sdelay $0x6  }
0x30: {  	v0 =	vld.idx.msk [tilespmem:v0+s2+$0x0], $0xffff  }
0x31: {  	v1 =	vld.idx.msk [tilespmem:v1+s2+$0x0], $0xffff;
	_ =	sdelay $0x2  }
.Ltmp3:
0x32: {  	_ = 	snop;
	(pc) =	sbr.rel @p0 .LBB2_7-.Ltmp3, $4  }
0x33: {  	_ = 	snop  }
0x34: {  	v0 =	vmul.f32 v1, v0  }
0x35: {  	s18 =	sshra.s32 s19, $0x2  }
0x36: {  	[tilespmem:s18+$0x5980] =	vst v0;
	s18 =	simm.s32 $0x0  }
0x37: {  	s19 =	sand.u32 $0x70, s13;
	s20 =	sand.u32 $0x7F00, s12;
	s21 =	smov.u32 s13  }
0x38: {  	s22 =	sor.u32 s19, s20;
	s19 =	simm.s32 $0x40;
	s20 =	smov.u32 s12  }
.LBB2_5:
0x39: {  	p1 =	sne.s32 s19, $0x2C0;
	v0 =	vld [tilespmem:s22+$0x2780]  }
0x3a: {  	v1 =	vld [tilespmem:s22+$0x2800];
	_ =	sdelay $0x6  }
0x3b: {  	v0 =	vld.idx.msk [tilespmem:v0+s2+$0x0], $0xffff  }
0x3c: {  	v1 =	vld.idx.msk [tilespmem:v1+s2+$0x0], $0xffff;
	_ =	sdelay $0x3  }
.Ltmp4:
0x3d: {  	(pc) =	sbr.rel @p1 .LBB2_5-.Ltmp4, $4  }
0x3e: {  	_ = 	snop  }
0x3f: {  	s20 =	sadd.s32 $0x20, s20;
	s21 =	sadd.s32 $0x10, s21;
	v0 =	vmul.f32 v1, v0  }
0x40: {  	s18 =	sshra.s32 s18, $0x2;
	s22 =	sand.u32 $0x70, s21;
	s23 =	sand.u32 $0x7F00, s20  }
0x41: {  	s22 =	sor.u32 s22, s23;
	[tilespmem:s18+$0x7130] =	vst v0;
	s18 =	smov.u32 s19;
	s19 =	sadd.s32 $0x40, s19  }
0x42: {  	v0 =	vld [tilespmem:s22+$0x2780]  }
0x43: {  	v1 =	vld [tilespmem:s22+$0x2800];
	_ =	sdelay $0x6  }
0x44: {  	v0 =	vld.idx.msk [tilespmem:v0+s2+$0x0], $0xffff  }
0x45: {  	v1 =	vld.idx.msk [tilespmem:v1+s2+$0x0], $0xffff;
	_ =	sdelay $0x4  }
0x46: {  	v0 =	vmul.f32 v1, v0  }
0x47: {  	s18 =	sshra.s32 s18, $0x2  }
0x48: {  	[tilespmem:s18+$0x7130] =	vst v0  }
0x49: {  	[hbm4b:s6+s2] =	stream.linear.scatter [tilespmem:s15], [sflag:$0x1], $0x17B0, $0x38;
	[tilespmem:$0x7200] =	vst v63  }
0x4a: {  	_ =	swait.ge [sflag:s14], $0x17B0  }
0x4b: {  	[sflag:s14] =	ssyncset.done $0x0  }
.Ltmp5:
0x4c: {  	[sflag:s14] =	ssyncadd.s32 $0xFFFFE850;
	(pc) =	sbr.rel .LBB2_8-.Ltmp5, $4  }
0x4d: {  	[hbm4b:s7+s2] =	stream.linear.scatter [tilespmem:s16], [sflag:$0x1], $0xC0, $0x38;
	[tilespmem:$0x7200] =	vst v63  }
0x4e: {  	_ =	swait.ge [sflag:s14], $0xC0  }
0x4f: {  	[sflag:s14] =	ssyncset.done $0x0  }
0x50: {  	[sflag:s14] =	ssyncadd.s32 $0xFFFFFF40  }
.LBB2_9:
0x51: {  	_ =	sfence.sel $0x180000  }
0x52: {  	[bflag:$0x0] =	sbarrier.arrive $0xFFFF  }
0x53: {  	p0 =	sne.s32 s0, $0x0;
	_ =	strace $0x90000050  }
0x54: {  	s0 =	sadd.s32 @!p0 $0x100000, s1;
	[bflag:$0x2] =	sbarrier.arrive $0xFFFF  }
0x55: {  	[sflag:s0] =	ssyncadd.tile.s32 @!p0 $0x1;
	_ =	shalt  }
.Lfunc_end2:
_tile_overlayer_lowered:
.L_overlay_start_2:
0x56: {  	(tag) =	ssettag $0x2  }
0x57: {  	s0 =	rddreg [dreg:$0x0];
	s2 =	stileid.u32  }
0x58: {  	s1 =	rddreg [dreg:$0x1];
	p0 =	sne.s32 s2, $0x0  }
0x59: {  	s3 =	rddreg [dreg:$0x2];
	[bflag:$0x3] =	sbarrier.arrive $0xFFFF;
	s2 =	simm.s32 @!p0 $0x1C01  }
0x5a: {  	[timem:s3], [sflag:s2] =	dma.local @!p0 [hbm:s0], s1  }
0x5b: {  	s0 =	simm.s32 @!p0 $0x1  }
0x5c: {  	_ =	swait.ge @!p0 [sflag:s0], s1  }
0x5d: {  	s1 =	ssub.s32 @!p0 $0x0, s1;
	[sflag:s0] =	ssyncset.done @!p0 $0x0  }
0x5e: {  	[sflag:s0] =	ssyncadd.s32 @!p0 s1  }
0x5f: {  	[bflag:$0x3] =	sbarrier.arrive $0xFFFF  }
0x60: {  	_ =	shalt  }

</sc_bundles>
